<compile_context>
chip_gen: v7x
topology: tpu7x:2x2x1
jax: 0.10.2.dev20260603
libtpu: 0.0.44.dev20260713+nightly
codegen_flags: <defaults>
</compile_context>

<pallas_src>
import functools

import jax
import jax.numpy as jnp
from jax import lax
from jax.experimental import pallas as pl
from jax.experimental.pallas import tpu as pltpu
from jax.experimental.pallas import tpu_sc as plsc

D = 128
NW = 32
CW0 = 128
NBUF = 4
NGRP = 2


def _make_embed(B: int, S: int, N: int):
    BW = B * S
    BN = B * N
    RPW = B // NW
    wpw = RPW * S
    npw = RPW * N
    CW1 = S - CW0
    G = RPW // NGRP
    GID = NGRP * N
    assert RPW % NGRP == 0 and 0 < CW1 <= 128 and N <= 128

    mesh = plsc.VectorSubcoreMesh(core_axis_name="c", subcore_axis_name="s")

    @functools.partial(
        pl.kernel,
        mesh=mesh,
        out_type=(
            jax.ShapeDtypeStruct((B, S, D), jnp.float32),
            jax.ShapeDtypeStruct((B, N, D), jnp.float32),
        ),
        scratch_types=[
            pltpu.VMEM((RPW, S), jnp.int32),
            pltpu.VMEM((RPW, N), jnp.int32),
            pltpu.VMEM((NBUF // 2, CW0 + CW1, D), jnp.float32),
            pltpu.VMEM((2, NGRP, N, D), jnp.float32),
            pltpu.SemaphoreType.DMA,
            pltpu.SemaphoreType.DMA,
        ]
        + [pltpu.SemaphoreType.DMA] * 12,
    )
    def embed(x_hbm, nid_hbm, ww_hbm, wg_hbm, out_w, out_n,
              idxw_2d, idxn_2d, bufs_v, bufn_v, isem0, isem1, *sems):
        gsems = sems[0:4]
        osems = sems[4:8]
        nsems = sems[8:10]
        msems = sems[10:12]
        wid = lax.axis_index("s") * 2 + lax.axis_index("c")
        rbase = wid * RPW

        widx_cp = pltpu.make_async_copy(
            x_hbm.at[pl.ds(wid * RPW, RPW), :], idxw_2d, isem0)
        nidx_cp = pltpu.make_async_copy(
            nid_hbm.at[pl.ds(wid * RPW, RPW), :], idxn_2d, isem1)
        widx_cp.start()
        nidx_cp.start()

        def wsize(b):
            return CW0 if b % 2 == 0 else CW1

        def wbuf(b):
            return bufs_v.at[b // 2, pl.ds((b % 2) * CW0, wsize(b))]

        def wgather(j, b):
            row = j // 2
            idx = idxw_2d.at[row, pl.ds((b % 2) * CW0, wsize(b))]
            return pltpu.make_async_copy(ww_hbm.at[idx], wbuf(b), gsems[b])

        def wocopy(j, b):
            row = j // 2
            dst = out_w.at[rbase + row, pl.ds((b % 2) * CW0, wsize(b))]
            return pltpu.make_async_copy(wbuf(b), dst, osems[b])

        def ngathers(g, b):
            return [
                pltpu.make_async_copy(
                    wg_hbm.at[idxn_2d.at[g * NGRP + r]],
                    bufn_v.at[b, r], nsems[b])
                for r in range(NGRP)
            ]

        def nocopy(g, b):
            dst = out_n.at[pl.ds(rbase + g * NGRP, NGRP)]
            return pltpu.make_async_copy(bufn_v.at[b], dst, msems[b])

        nchunks = 2 * RPW
        ngroups = G

        widx_cp.wait()
        for b in range(4):
            wgather(b, b).start()
        nidx_cp.wait()
        for h in range(2):
            for d in ngathers(h, h):
                d.start()

        rounds = nchunks // (4 * ngroups)

        def body(i, carry):
            for h in range(2):
                g = 2 * i + h
                for q in range(rounds):
                    j0 = (g * rounds + q) * 4
                    for b in range(4):
                        wgather(j0 + b, b).wait()
                        wocopy(j0 + b, b).start()
                    if q == 0:
                        for d in ngathers(g, h):
                            d.wait()
                        nocopy(g, h).start()
                    for b in range(4):
                        wocopy(j0 + b, b).wait()

                        @pl.when(j0 + b + 4 < nchunks)
                        def _():
                            wgather(j0 + b + 4, b).start()
                    if q == rounds - 1:
                        nocopy(g, h).wait()

                        @pl.when(g + 2 < ngroups)
                        def _():
                            for d in ngathers(g + 2, h):
                                d.start()
            return carry

        lax.fori_loop(0, ngroups // 2, body, 0)

    return embed


def kernel(x, node_ids, W_word, W_graph):
    B, S = x.shape
    _, N = node_ids.shape
    return _make_embed(B, S, N)(x, node_ids, W_word, W_graph)

# --- scband reference (transcript-rebuilt; emitter-appended) ---
"""Pipeline reference for scband-word-rep-78365973283139 (READ-ONLY COPY).

The authoritative reference and input builder live on the scoring server;
editing this copy changes nothing except your own understanding.
"""

import jax, jax.numpy as jnp
import numpy as np

VOCAB = 100000
ENTITY_NUM = 100000
EMBED_DIM = 128
BATCH = 1024
SEQ = 200
N_NODES = 50


def setup_inputs(seed: int = 0) -> dict:
    key = jax.random.key(seed)
    k1, k2, k3, k4 = jax.random.split(key, 4)
    x = jax.random.randint(k1, (BATCH, SEQ), 0, VOCAB, dtype=jnp.int32)
    node_ids = jax.random.randint(k2, (BATCH, N_NODES), 0, ENTITY_NUM, dtype=jnp.int32)
    # word embedding table, padding_idx=0 row zeroed (as in nn.Embedding(padding_idx=0))
    W_word = jax.random.normal(k3, (VOCAB, EMBED_DIM), dtype=jnp.float32) * 0.02
    W_word = W_word.at[0].set(0.0)
    # graph entity embedding table (no padding_idx)
    W_graph = jax.random.normal(k4, (ENTITY_NUM, EMBED_DIM), dtype=jnp.float32) * 0.02
    return {"x": x, "node_ids": node_ids, "W_word": W_word, "W_graph": W_graph}


def reference(x, node_ids, W_word, W_graph):
    # x = self.embed(x)
    xe = jnp.take(W_word, x, axis=0)
    # self.embed_drop is identity at inference (eval mode)
    # node_embed = self.embedding_graph(node_ids)
    node_embed = jnp.take(W_graph, node_ids, axis=0)
    return (xe, node_embed)

if __name__ == "__main__":
    import jax
    _d = setup_inputs()
    print(jax.jit(kernel)(*tuple(_d.values())))

</pallas_src>

<mosaic_0001>
#map = affine_map<(d0, d1) -> (0, 0)>
#map1 = affine_map<(d0, d1) -> (0, 0, 0)>
module attributes {stable_mosaic.version = 14 : i64} {
  func.func @embed(%arg0: i32, %arg1: i32, %arg2: memref<1024x200xi32, #tpu.memory_space<hbm>>, %arg3: memref<1024x50xi32, #tpu.memory_space<hbm>>, %arg4: memref<100000x128xf32, #tpu.memory_space<hbm>>, %arg5: memref<100000x128xf32, #tpu.memory_space<hbm>>, %arg6: memref<1024x200x128xf32, #tpu.memory_space<hbm>>, %arg7: memref<1024x50x128xf32, #tpu.memory_space<hbm>>, %arg8: memref<32x200xi32, #tpu.memory_space<vmem>>, %arg9: memref<32x50xi32, #tpu.memory_space<vmem>>, %arg10: memref<2x200x128xf32, #tpu.memory_space<vmem>>, %arg11: memref<2x2x50x128xf32, #tpu.memory_space<vmem>>, %arg12: memref<!tpu.dma_semaphore, #tpu.memory_space<semaphore_mem>>, %arg13: memref<!tpu.dma_semaphore, #tpu.memory_space<semaphore_mem>>, %arg14: memref<!tpu.dma_semaphore, #tpu.memory_space<semaphore_mem>>, %arg15: memref<!tpu.dma_semaphore, #tpu.memory_space<semaphore_mem>>, %arg16: memref<!tpu.dma_semaphore, #tpu.memory_space<semaphore_mem>>, %arg17: memref<!tpu.dma_semaphore, #tpu.memory_space<semaphore_mem>>, %arg18: memref<!tpu.dma_semaphore, #tpu.memory_space<semaphore_mem>>, %arg19: memref<!tpu.dma_semaphore, #tpu.memory_space<semaphore_mem>>, %arg20: memref<!tpu.dma_semaphore, #tpu.memory_space<semaphore_mem>>, %arg21: memref<!tpu.dma_semaphore, #tpu.memory_space<semaphore_mem>>, %arg22: memref<!tpu.dma_semaphore, #tpu.memory_space<semaphore_mem>>, %arg23: memref<!tpu.dma_semaphore, #tpu.memory_space<semaphore_mem>>, %arg24: memref<!tpu.dma_semaphore, #tpu.memory_space<semaphore_mem>>, %arg25: memref<!tpu.dma_semaphore, #tpu.memory_space<semaphore_mem>>) attributes {dimension_semantics = [#tpu.dimension_semantics<core_parallel>, #tpu.dimension_semantics<subcore_parallel>], iteration_bounds = array<i64: 2, 16>, scalar_prefetch = 0 : i64, scratch_operands = 18 : i64, tpu.core_type = #tpu.core_type<sc_vector_subcore>, window_params = [{transform_indices = #map}, {transform_indices = #map}, {transform_indices = #map}, {transform_indices = #map}, {transform_indices = #map1}, {transform_indices = #map1}]} {
    %mul3A = arith.constant 2 : i32
    %mul3A_0 = arith.muli %arg1, %mul3A : i32
    %add3A = arith.addi %mul3A_0, %arg0 : i32
    %mul3A_1 = arith.constant 32 : i32
    %mul3A_2 = arith.muli %add3A, %mul3A_1 : i32
    %mul3A_3 = arith.constant 32 : i32
    %mul3A_4 = arith.muli %add3A, %mul3A_3 : i32
    %mul3A_5 = arith.constant 32 : i32
    %mul3A_6 = arith.muli %add3A, %mul3A_5 : i32
    %dma_start3A = arith.constant 0 : i32
    %dma_start3A_7 = tpu.memref_slice %arg2[%mul3A_4, %dma_start3A] : memref<1024x200xi32, #tpu.memory_space<hbm>> -> memref<32x200xi32, #tpu.memory_space<hbm>>
    %dma_start3A_8 = arith.constant 0 : i32
    %dma_start3A_9 = tpu.memref_slice %arg2[%mul3A_4, %dma_start3A_8] : memref<1024x200xi32, #tpu.memory_space<hbm>> -> memref<32x200xi32, #tpu.memory_space<hbm>>
    tpu.enqueue_dma source(%dma_start3A_9 : memref<32x200xi32, #tpu.memory_space<hbm>>) target(%arg8 : memref<32x200xi32, #tpu.memory_space<vmem>>) target_semaphore(%arg12 : memref<!tpu.dma_semaphore, #tpu.memory_space<semaphore_mem>>)
    %dma_start3A_10 = arith.constant 0 : i32
    %dma_start3A_11 = tpu.memref_slice %arg3[%mul3A_6, %dma_start3A_10] : memref<1024x50xi32, #tpu.memory_space<hbm>> -> memref<32x50xi32, #tpu.memory_space<hbm>>
    %dma_start3A_12 = arith.constant 0 : i32
    %dma_start3A_13 = tpu.memref_slice %arg3[%mul3A_6, %dma_start3A_12] : memref<1024x50xi32, #tpu.memory_space<hbm>> -> memref<32x50xi32, #tpu.memory_space<hbm>>
    tpu.enqueue_dma source(%dma_start3A_13 : memref<32x50xi32, #tpu.memory_space<hbm>>) target(%arg9 : memref<32x50xi32, #tpu.memory_space<vmem>>) target_semaphore(%arg13 : memref<!tpu.dma_semaphore, #tpu.memory_space<semaphore_mem>>)
    %dma_wait3A = arith.constant 0 : i32
    %dma_wait3A_14 = tpu.memref_slice %arg2[%mul3A_4, %dma_wait3A] : memref<1024x200xi32, #tpu.memory_space<hbm>> -> memref<32x200xi32, #tpu.memory_space<hbm>>
    %dma_wait3A_15 = arith.constant 0 : i32
    %dma_wait3A_16 = tpu.memref_slice %arg2[%mul3A_4, %dma_wait3A_15] : memref<1024x200xi32, #tpu.memory_space<hbm>> -> memref<32x200xi32, #tpu.memory_space<hbm>>
    tpu.wait_dma2 semaphore(%arg12 : memref<!tpu.dma_semaphore, #tpu.memory_space<semaphore_mem>>) src(%dma_wait3A_16 : memref<32x200xi32, #tpu.memory_space<hbm>>) dst(%arg8 : memref<32x200xi32, #tpu.memory_space<vmem>>)
    %dma_start3A_17 = arith.constant 0 : i32
    %dma_start3A_18 = arith.constant 0 : i32
    %dma_start3A_19 = arith.constant 0 : i32
    %dma_start3A_20 = arith.constant 0 : i32
    %dma_start3A_21 = tpu.memref_slice %arg10[%dma_start3A_18, %dma_start3A_19, %dma_start3A_20] : memref<2x200x128xf32, #tpu.memory_space<vmem>> -> memref<1x128x128xf32, #tpu.memory_space<vmem>>
    %dma_start3A_22 = tpu.memref_squeeze %dma_start3A_21 : memref<1x128x128xf32, #tpu.memory_space<vmem>> -> memref<128x128xf32, #tpu.memory_space<vmem>>
    %dma_start3A_23 = arith.constant 0 : i32
    %dma_start3A_24 = tpu.memref_slice %arg8[%dma_start3A_17, %dma_start3A_23] : memref<32x200xi32, #tpu.memory_space<vmem>> -> memref<1x128xi32, #tpu.memory_space<vmem>>
    %dma_start3A_25 = tpu.memref_squeeze %dma_start3A_24 : memref<1x128xi32, #tpu.memory_space<vmem>> -> memref<128xi32, #tpu.memory_space<vmem>>
    %dma_start3A_26 = arith.constant 0 : i32
    %dma_start3A_27 = arith.constant 0 : i32
    %dma_start3A_28 = tpu.memref_slice %arg4[%dma_start3A_26, %dma_start3A_27] : memref<100000x128xf32, #tpu.memory_space<hbm>> -> memref<100000x128xf32, #tpu.memory_space<hbm>>
    tpu.enqueue_indirect_dma source(%dma_start3A_28 : memref<100000x128xf32, #tpu.memory_space<hbm>>) target(%dma_start3A_22 : memref<128x128xf32, #tpu.memory_space<vmem>>) offsets(%dma_start3A_25 : memref<128xi32, #tpu.memory_space<vmem>>) semaphore(%arg14 : memref<!tpu.dma_semaphore, #tpu.memory_space<semaphore_mem>>)
    %dma_start3A_29 = arith.constant 0 : i32
    %dma_start3A_30 = arith.constant 0 : i32
    %dma_start3A_31 = arith.constant 128 : i32
    %dma_start3A_32 = arith.constant 0 : i32
    %dma_start3A_33 = tpu.memref_slice %arg10[%dma_start3A_30, %dma_start3A_31, %dma_start3A_32] : memref<2x200x128xf32, #tpu.memory_space<vmem>> -> memref<1x72x128xf32, #tpu.memory_space<vmem>>
    %dma_start3A_34 = tpu.memref_squeeze %dma_start3A_33 : memref<1x72x128xf32, #tpu.memory_space<vmem>> -> memref<72x128xf32, #tpu.memory_space<vmem>>
    %dma_start3A_35 = arith.constant 128 : i32
    %dma_start3A_36 = tpu.memref_slice %arg8[%dma_start3A_29, %dma_start3A_35] : memref<32x200xi32, #tpu.memory_space<vmem>> -> memref<1x72xi32, #tpu.memory_space<vmem>>
    %dma_start3A_37 = tpu.memref_squeeze %dma_start3A_36 : memref<1x72xi32, #tpu.memory_space<vmem>> -> memref<72xi32, #tpu.memory_space<vmem>>
    %dma_start3A_38 = arith.constant 0 : i32
    %dma_start3A_39 = arith.constant 0 : i32
    %dma_start3A_40 = tpu.memref_slice %arg4[%dma_start3A_38, %dma_start3A_39] : memref<100000x128xf32, #tpu.memory_space<hbm>> -> memref<100000x128xf32, #tpu.memory_space<hbm>>
    tpu.enqueue_indirect_dma source(%dma_start3A_40 : memref<100000x128xf32, #tpu.memory_space<hbm>>) target(%dma_start3A_34 : memref<72x128xf32, #tpu.memory_space<vmem>>) offsets(%dma_start3A_37 : memref<72xi32, #tpu.memory_space<vmem>>) semaphore(%arg15 : memref<!tpu.dma_semaphore, #tpu.memory_space<semaphore_mem>>)
    %dma_start3A_41 = arith.constant 1 : i32
    %dma_start3A_42 = arith.constant 1 : i32
    %dma_start3A_43 = arith.constant 0 : i32
    %dma_start3A_44 = arith.constant 0 : i32
    %dma_start3A_45 = tpu.memref_slice %arg10[%dma_start3A_42, %dma_start3A_43, %dma_start3A_44] : memref<2x200x128xf32, #tpu.memory_space<vmem>> -> memref<1x128x128xf32, #tpu.memory_space<vmem>>
    %dma_start3A_46 = tpu.memref_squeeze %dma_start3A_45 : memref<1x128x128xf32, #tpu.memory_space<vmem>> -> memref<128x128xf32, #tpu.memory_space<vmem>>
    %dma_start3A_47 = arith.constant 0 : i32
    %dma_start3A_48 = tpu.memref_slice %arg8[%dma_start3A_41, %dma_start3A_47] : memref<32x200xi32, #tpu.memory_space<vmem>> -> memref<1x128xi32, #tpu.memory_space<vmem>>
    %dma_start3A_49 = tpu.memref_squeeze %dma_start3A_48 : memref<1x128xi32, #tpu.memory_space<vmem>> -> memref<128xi32, #tpu.memory_space<vmem>>
    %dma_start3A_50 = arith.constant 0 : i32
    %dma_start3A_51 = arith.constant 0 : i32
    %dma_start3A_52 = tpu.memref_slice %arg4[%dma_start3A_50, %dma_start3A_51] : memref<100000x128xf32, #tpu.memory_space<hbm>> -> memref<100000x128xf32, #tpu.memory_space<hbm>>
    tpu.enqueue_indirect_dma source(%dma_start3A_52 : memref<100000x128xf32, #tpu.memory_space<hbm>>) target(%dma_start3A_46 : memref<128x128xf32, #tpu.memory_space<vmem>>) offsets(%dma_start3A_49 : memref<128xi32, #tpu.memory_space<vmem>>) semaphore(%arg16 : memref<!tpu.dma_semaphore, #tpu.memory_space<semaphore_mem>>)
    %dma_start3A_53 = arith.constant 1 : i32
    %dma_start3A_54 = arith.constant 1 : i32
    %dma_start3A_55 = arith.constant 128 : i32
    %dma_start3A_56 = arith.constant 0 : i32
    %dma_start3A_57 = tpu.memref_slice %arg10[%dma_start3A_54, %dma_start3A_55, %dma_start3A_56] : memref<2x200x128xf32, #tpu.memory_space<vmem>> -> memref<1x72x128xf32, #tpu.memory_space<vmem>>
    %dma_start3A_58 = tpu.memref_squeeze %dma_start3A_57 : memref<1x72x128xf32, #tpu.memory_space<vmem>> -> memref<72x128xf32, #tpu.memory_space<vmem>>
    %dma_start3A_59 = arith.constant 128 : i32
    %dma_start3A_60 = tpu.memref_slice %arg8[%dma_start3A_53, %dma_start3A_59] : memref<32x200xi32, #tpu.memory_space<vmem>> -> memref<1x72xi32, #tpu.memory_space<vmem>>
    %dma_start3A_61 = tpu.memref_squeeze %dma_start3A_60 : memref<1x72xi32, #tpu.memory_space<vmem>> -> memref<72xi32, #tpu.memory_space<vmem>>
    %dma_start3A_62 = arith.constant 0 : i32
    %dma_start3A_63 = arith.constant 0 : i32
    %dma_start3A_64 = tpu.memref_slice %arg4[%dma_start3A_62, %dma_start3A_63] : memref<100000x128xf32, #tpu.memory_space<hbm>> -> memref<100000x128xf32, #tpu.memory_space<hbm>>
    tpu.enqueue_indirect_dma source(%dma_start3A_64 : memref<100000x128xf32, #tpu.memory_space<hbm>>) target(%dma_start3A_58 : memref<72x128xf32, #tpu.memory_space<vmem>>) offsets(%dma_start3A_61 : memref<72xi32, #tpu.memory_space<vmem>>) semaphore(%arg17 : memref<!tpu.dma_semaphore, #tpu.memory_space<semaphore_mem>>)
    %dma_wait3A_65 = arith.constant 0 : i32
    %dma_wait3A_66 = tpu.memref_slice %arg3[%mul3A_6, %dma_wait3A_65] : memref<1024x50xi32, #tpu.memory_space<hbm>> -> memref<32x50xi32, #tpu.memory_space<hbm>>
    %dma_wait3A_67 = arith.constant 0 : i32
    %dma_wait3A_68 = tpu.memref_slice %arg3[%mul3A_6, %dma_wait3A_67] : memref<1024x50xi32, #tpu.memory_space<hbm>> -> memref<32x50xi32, #tpu.memory_space<hbm>>
    tpu.wait_dma2 semaphore(%arg13 : memref<!tpu.dma_semaphore, #tpu.memory_space<semaphore_mem>>) src(%dma_wait3A_68 : memref<32x50xi32, #tpu.memory_space<hbm>>) dst(%arg9 : memref<32x50xi32, #tpu.memory_space<vmem>>)
    %dma_start3A_69 = arith.constant 0 : i32
    %dma_start3A_70 = arith.constant 0 : i32
    %dma_start3A_71 = arith.constant 0 : i32
    %dma_start3A_72 = arith.constant 0 : i32
    %dma_start3A_73 = arith.constant 0 : i32
    %dma_start3A_74 = tpu.memref_slice %arg11[%dma_start3A_70, %dma_start3A_71, %dma_start3A_72, %dma_start3A_73] : memref<2x2x50x128xf32, #tpu.memory_space<vmem>> -> memref<1x1x50x128xf32, #tpu.memory_space<vmem>>
    %dma_start3A_75 = tpu.memref_squeeze %dma_start3A_74 : memref<1x1x50x128xf32, #tpu.memory_space<vmem>> -> memref<50x128xf32, #tpu.memory_space<vmem>>
    %dma_start3A_76 = arith.constant 0 : i32
    %dma_start3A_77 = tpu.memref_slice %arg9[%dma_start3A_69, %dma_start3A_76] : memref<32x50xi32, #tpu.memory_space<vmem>> -> memref<1x50xi32, #tpu.memory_space<vmem>>
    %dma_start3A_78 = tpu.memref_squeeze %dma_start3A_77 : memref<1x50xi32, #tpu.memory_space<vmem>> -> memref<50xi32, #tpu.memory_space<vmem>>
    %dma_start3A_79 = arith.constant 0 : i32
    %dma_start3A_80 = arith.constant 0 : i32
    %dma_start3A_81 = tpu.memref_slice %arg5[%dma_start3A_79, %dma_start3A_80] : memref<100000x128xf32, #tpu.memory_space<hbm>> -> memref<100000x128xf32, #tpu.memory_space<hbm>>
    tpu.enqueue_indirect_dma source(%dma_start3A_81 : memref<100000x128xf32, #tpu.memory_space<hbm>>) target(%dma_start3A_75 : memref<50x128xf32, #tpu.memory_space<vmem>>) offsets(%dma_start3A_78 : memref<50xi32, #tpu.memory_space<vmem>>) semaphore(%arg22 : memref<!tpu.dma_semaphore, #tpu.memory_space<semaphore_mem>>)
    %dma_start3A_82 = arith.constant 1 : i32
    %dma_start3A_83 = arith.constant 0 : i32
    %dma_start3A_84 = arith.constant 1 : i32
    %dma_start3A_85 = arith.constant 0 : i32
    %dma_start3A_86 = arith.constant 0 : i32
    %dma_start3A_87 = tpu.memref_slice %arg11[%dma_start3A_83, %dma_start3A_84, %dma_start3A_85, %dma_start3A_86] : memref<2x2x50x128xf32, #tpu.memory_space<vmem>> -> memref<1x1x50x128xf32, #tpu.memory_space<vmem>>
    %dma_start3A_88 = tpu.memref_squeeze %dma_start3A_87 : memref<1x1x50x128xf32, #tpu.memory_space<vmem>> -> memref<50x128xf32, #tpu.memory_space<vmem>>
    %dma_start3A_89 = arith.constant 0 : i32
    %dma_start3A_90 = tpu.memref_slice %arg9[%dma_start3A_82, %dma_start3A_89] : memref<32x50xi32, #tpu.memory_space<vmem>> -> memref<1x50xi32, #tpu.memory_space<vmem>>
    %dma_start3A_91 = tpu.memref_squeeze %dma_start3A_90 : memref<1x50xi32, #tpu.memory_space<vmem>> -> memref<50xi32, #tpu.memory_space<vmem>>
    %dma_start3A_92 = arith.constant 0 : i32
    %dma_start3A_93 = arith.constant 0 : i32
    %dma_start3A_94 = tpu.memref_slice %arg5[%dma_start3A_92, %dma_start3A_93] : memref<100000x128xf32, #tpu.memory_space<hbm>> -> memref<100000x128xf32, #tpu.memory_space<hbm>>
    tpu.enqueue_indirect_dma source(%dma_start3A_94 : memref<100000x128xf32, #tpu.memory_space<hbm>>) target(%dma_start3A_88 : memref<50x128xf32, #tpu.memory_space<vmem>>) offsets(%dma_start3A_91 : memref<50xi32, #tpu.memory_space<vmem>>) semaphore(%arg22 : memref<!tpu.dma_semaphore, #tpu.memory_space<semaphore_mem>>)
    %dma_start3A_95 = arith.constant 2 : i32
    %dma_start3A_96 = arith.constant 1 : i32
    %dma_start3A_97 = arith.constant 0 : i32
    %dma_start3A_98 = arith.constant 0 : i32
    %dma_start3A_99 = arith.constant 0 : i32
    %dma_start3A_100 = tpu.memref_slice %arg11[%dma_start3A_96, %dma_start3A_97, %dma_start3A_98, %dma_start3A_99] : memref<2x2x50x128xf32, #tpu.memory_space<vmem>> -> memref<1x1x50x128xf32, #tpu.memory_space<vmem>>
    %dma_start3A_101 = tpu.memref_squeeze %dma_start3A_100 : memref<1x1x50x128xf32, #tpu.memory_space<vmem>> -> memref<50x128xf32, #tpu.memory_space<vmem>>
    %dma_start3A_102 = arith.constant 0 : i32
    %dma_start3A_103 = tpu.memref_slice %arg9[%dma_start3A_95, %dma_start3A_102] : memref<32x50xi32, #tpu.memory_space<vmem>> -> memref<1x50xi32, #tpu.memory_space<vmem>>
    %dma_start3A_104 = tpu.memref_squeeze %dma_start3A_103 : memref<1x50xi32, #tpu.memory_space<vmem>> -> memref<50xi32, #tpu.memory_space<vmem>>
    %dma_start3A_105 = arith.constant 0 : i32
    %dma_start3A_106 = arith.constant 0 : i32
    %dma_start3A_107 = tpu.memref_slice %arg5[%dma_start3A_105, %dma_start3A_106] : memref<100000x128xf32, #tpu.memory_space<hbm>> -> memref<100000x128xf32, #tpu.memory_space<hbm>>
    tpu.enqueue_indirect_dma source(%dma_start3A_107 : memref<100000x128xf32, #tpu.memory_space<hbm>>) target(%dma_start3A_101 : memref<50x128xf32, #tpu.memory_space<vmem>>) offsets(%dma_start3A_104 : memref<50xi32, #tpu.memory_space<vmem>>) semaphore(%arg23 : memref<!tpu.dma_semaphore, #tpu.memory_space<semaphore_mem>>)
    %dma_start3A_108 = arith.constant 3 : i32
    %dma_start3A_109 = arith.constant 1 : i32
    %dma_start3A_110 = arith.constant 1 : i32
    %dma_start3A_111 = arith.constant 0 : i32
    %dma_start3A_112 = arith.constant 0 : i32
    %dma_start3A_113 = tpu.memref_slice %arg11[%dma_start3A_109, %dma_start3A_110, %dma_start3A_111, %dma_start3A_112] : memref<2x2x50x128xf32, #tpu.memory_space<vmem>> -> memref<1x1x50x128xf32, #tpu.memory_space<vmem>>
    %dma_start3A_114 = tpu.memref_squeeze %dma_start3A_113 : memref<1x1x50x128xf32, #tpu.memory_space<vmem>> -> memref<50x128xf32, #tpu.memory_space<vmem>>
    %dma_start3A_115 = arith.constant 0 : i32
    %dma_start3A_116 = tpu.memref_slice %arg9[%dma_start3A_108, %dma_start3A_115] : memref<32x50xi32, #tpu.memory_space<vmem>> -> memref<1x50xi32, #tpu.memory_space<vmem>>
    %dma_start3A_117 = tpu.memref_squeeze %dma_start3A_116 : memref<1x50xi32, #tpu.memory_space<vmem>> -> memref<50xi32, #tpu.memory_space<vmem>>
    %dma_start3A_118 = arith.constant 0 : i32
    %dma_start3A_119 = arith.constant 0 : i32
    %dma_start3A_120 = tpu.memref_slice %arg5[%dma_start3A_118, %dma_start3A_119] : memref<100000x128xf32, #tpu.memory_space<hbm>> -> memref<100000x128xf32, #tpu.memory_space<hbm>>
    tpu.enqueue_indirect_dma source(%dma_start3A_120 : memref<100000x128xf32, #tpu.memory_space<hbm>>) target(%dma_start3A_114 : memref<50x128xf32, #tpu.memory_space<vmem>>) offsets(%dma_start3A_117 : memref<50xi32, #tpu.memory_space<vmem>>) semaphore(%arg23 : memref<!tpu.dma_semaphore, #tpu.memory_space<semaphore_mem>>)
    %scan3A = arith.constant 0 : i32
    %scan3A_121 = arith.constant 0 : i32
    %scan3A_122 = arith.constant 8 : i32
    %scan3A_123 = arith.addi %scan3A_121, %scan3A_122 : i32
    %scan3A_124 = arith.constant 1 : i32
    scf.for %scan3A_126 = %scan3A_121 to %scan3A_123 step %scan3A_124  : i32 {
      %mul3A_127 = arith.constant 2 : i32
      %mul3A_128 = arith.muli %mul3A_127, %scan3A_126 : i32
      %add3A_129 = arith.constant 0 : i32
      %add3A_130 = arith.addi %mul3A_128, %add3A_129 : i32
      %mul3A_131 = arith.constant 1 : i32
      %mul3A_132 = arith.muli %add3A_130, %mul3A_131 : i32
      %add3A_133 = arith.constant 0 : i32
      %add3A_134 = arith.addi %mul3A_132, %add3A_133 : i32
      %mul3A_135 = arith.constant 4 : i32
      %mul3A_136 = arith.muli %add3A_134, %mul3A_135 : i32
      %add3A_137 = arith.constant 0 : i32
      %add3A_138 = arith.addi %mul3A_136, %add3A_137 : i32
      %jit3A = arith.constant 2 : i32
      %div3A = arith.divsi %add3A_138, %jit3A : i32
      %sign3A = arith.constant 0 : i32
      %sign3A_139 = arith.cmpi sgt, %add3A_138, %sign3A : i32
      %sign3A_140 = arith.extui %sign3A_139 : i1 to i32
      %sign3A_141 = arith.constant 0 : i32
      %sign3A_142 = arith.cmpi slt, %add3A_138, %sign3A_141 : i32
      %sign3A_143 = arith.extui %sign3A_142 : i1 to i32
      %sign3A_144 = arith.subi %sign3A_140, %sign3A_143 : i32
      %sign3A_145 = arith.constant 0 : i32
      %sign3A_146 = arith.cmpi sgt, %jit3A, %sign3A_145 : i32
      %sign3A_147 = arith.extui %sign3A_146 : i1 to i32
      %sign3A_148 = arith.constant 0 : i32
      %sign3A_149 = arith.cmpi slt, %jit3A, %sign3A_148 : i32
      %sign3A_150 = arith.extui %sign3A_149 : i1 to i32
      %sign3A_151 = arith.subi %sign3A_147, %sign3A_150 : i32
      %ne3A = arith.cmpi ne, %sign3A_144, %sign3A_151 : i32
      %rem3A = arith.remsi %add3A_138, %jit3A : i32
      %ne3A_152 = arith.constant 0 : i32
      %ne3A_153 = arith.cmpi ne, %rem3A, %ne3A_152 : i32
      %and3A = arith.andi %ne3A, %ne3A_153 : i1
      %sub3A = arith.constant 1 : i32
      %sub3A_154 = arith.subi %div3A, %sub3A : i32
      %select_n3A = arith.select %and3A, %sub3A_154, %div3A : i32
      %dma_wait3A_155 = arith.constant 0 : i32
      %dma_wait3A_156 = arith.constant 0 : i32
      %dma_wait3A_157 = arith.constant 0 : i32
      %dma_wait3A_158 = tpu.memref_slice %arg10[%dma_wait3A_155, %dma_wait3A_156, %dma_wait3A_157] : memref<2x200x128xf32, #tpu.memory_space<vmem>> -> memref<1x128x128xf32, #tpu.memory_space<vmem>>
      %dma_wait3A_159 = tpu.memref_squeeze %dma_wait3A_158 : memref<1x128x128xf32, #tpu.memory_space<vmem>> -> memref<128x128xf32, #tpu.memory_space<vmem>>
      %dma_wait3A_160 = arith.constant 0 : i32
      %dma_wait3A_161 = tpu.memref_slice %arg8[%select_n3A, %dma_wait3A_160] : memref<32x200xi32, #tpu.memory_space<vmem>> -> memref<1x128xi32, #tpu.memory_space<vmem>>
      %dma_wait3A_162 = tpu.memref_squeeze %dma_wait3A_161 : memref<1x128xi32, #tpu.memory_space<vmem>> -> memref<128xi32, #tpu.memory_space<vmem>>
      %dma_wait3A_163 = arith.constant 0 : i32
      %dma_wait3A_164 = arith.constant 0 : i32
      %dma_wait3A_165 = tpu.memref_slice %arg4[%dma_wait3A_163, %dma_wait3A_164] : memref<100000x128xf32, #tpu.memory_space<hbm>> -> memref<100000x128xf32, #tpu.memory_space<hbm>>
      tpu.wait_indirect_dma semaphore(%arg14 : memref<!tpu.dma_semaphore, #tpu.memory_space<semaphore_mem>>) src(%dma_wait3A_165 : memref<100000x128xf32, #tpu.memory_space<hbm>>) dst(%dma_wait3A_159 : memref<128x128xf32, #tpu.memory_space<vmem>>)
      %add3A_166 = arith.constant 0 : i32
      %add3A_167 = arith.addi %mul3A_136, %add3A_166 : i32
      %jit3A_168 = arith.constant 2 : i32
      %div3A_169 = arith.divsi %add3A_167, %jit3A_168 : i32
      %sign3A_170 = arith.constant 0 : i32
      %sign3A_171 = arith.cmpi sgt, %add3A_167, %sign3A_170 : i32
      %sign3A_172 = arith.extui %sign3A_171 : i1 to i32
      %sign3A_173 = arith.constant 0 : i32
      %sign3A_174 = arith.cmpi slt, %add3A_167, %sign3A_173 : i32
      %sign3A_175 = arith.extui %sign3A_174 : i1 to i32
      %sign3A_176 = arith.subi %sign3A_172, %sign3A_175 : i32
      %sign3A_177 = arith.constant 0 : i32
      %sign3A_178 = arith.cmpi sgt, %jit3A_168, %sign3A_177 : i32
      %sign3A_179 = arith.extui %sign3A_178 : i1 to i32
      %sign3A_180 = arith.constant 0 : i32
      %sign3A_181 = arith.cmpi slt, %jit3A_168, %sign3A_180 : i32
      %sign3A_182 = arith.extui %sign3A_181 : i1 to i32
      %sign3A_183 = arith.subi %sign3A_179, %sign3A_182 : i32
      %ne3A_184 = arith.cmpi ne, %sign3A_176, %sign3A_183 : i32
      %rem3A_185 = arith.remsi %add3A_167, %jit3A_168 : i32
      %ne3A_186 = arith.constant 0 : i32
      %ne3A_187 = arith.cmpi ne, %rem3A_185, %ne3A_186 : i32
      %and3A_188 = arith.andi %ne3A_184, %ne3A_187 : i1
      %sub3A_189 = arith.constant 1 : i32
      %sub3A_190 = arith.subi %div3A_169, %sub3A_189 : i32
      %select_n3A_191 = arith.select %and3A_188, %sub3A_190, %div3A_169 : i32
      %add3A_192 = arith.addi %mul3A_2, %select_n3A_191 : i32
      %dma_start3A_193 = arith.constant 0 : i32
      %dma_start3A_194 = arith.constant 0 : i32
      %dma_start3A_195 = arith.constant 0 : i32
      %dma_start3A_196 = tpu.memref_slice %arg10[%dma_start3A_193, %dma_start3A_194, %dma_start3A_195] : memref<2x200x128xf32, #tpu.memory_space<vmem>> -> memref<1x128x128xf32, #tpu.memory_space<vmem>>
      %dma_start3A_197 = tpu.memref_squeeze %dma_start3A_196 : memref<1x128x128xf32, #tpu.memory_space<vmem>> -> memref<128x128xf32, #tpu.memory_space<vmem>>
      %dma_start3A_198 = arith.constant 0 : i32
      %dma_start3A_199 = arith.constant 0 : i32
      %dma_start3A_200 = tpu.memref_slice %arg6[%add3A_192, %dma_start3A_198, %dma_start3A_199] : memref<1024x200x128xf32, #tpu.memory_space<hbm>> -> memref<1x128x128xf32, #tpu.memory_space<hbm>>
      %dma_start3A_201 = tpu.memref_squeeze %dma_start3A_200 : memref<1x128x128xf32, #tpu.memory_space<hbm>> -> memref<128x128xf32, #tpu.memory_space<hbm>>
      %dma_start3A_202 = arith.constant 0 : i32
      %dma_start3A_203 = arith.constant 0 : i32
      %dma_start3A_204 = tpu.memref_slice %arg6[%add3A_192, %dma_start3A_202, %dma_start3A_203] : memref<1024x200x128xf32, #tpu.memory_space<hbm>> -> memref<1x128x128xf32, #tpu.memory_space<hbm>>
      %dma_start3A_205 = tpu.memref_squeeze %dma_start3A_204 : memref<1x128x128xf32, #tpu.memory_space<hbm>> -> memref<128x128xf32, #tpu.memory_space<hbm>>
      %dma_start3A_206 = arith.constant 0 : i32
      %dma_start3A_207 = arith.constant 0 : i32
      %dma_start3A_208 = tpu.memref_slice %arg10[%dma_start3A_193, %dma_start3A_206, %dma_start3A_207] : memref<2x200x128xf32, #tpu.memory_space<vmem>> -> memref<1x128x128xf32, #tpu.memory_space<vmem>>
      %dma_start3A_209 = tpu.memref_squeeze %dma_start3A_208 : memref<1x128x128xf32, #tpu.memory_space<vmem>> -> memref<128x128xf32, #tpu.memory_space<vmem>>
      tpu.enqueue_dma source(%dma_start3A_209 : memref<128x128xf32, #tpu.memory_space<vmem>>) target(%dma_start3A_205 : memref<128x128xf32, #tpu.memory_space<hbm>>) target_semaphore(%arg18 : memref<!tpu.dma_semaphore, #tpu.memory_space<semaphore_mem>>)
      %add3A_210 = arith.constant 1 : i32
      %add3A_211 = arith.addi %mul3A_136, %add3A_210 : i32
      %jit3A_212 = arith.constant 2 : i32
      %div3A_213 = arith.divsi %add3A_211, %jit3A_212 : i32
      %sign3A_214 = arith.constant 0 : i32
      %sign3A_215 = arith.cmpi sgt, %add3A_211, %sign3A_214 : i32
      %sign3A_216 = arith.extui %sign3A_215 : i1 to i32
      %sign3A_217 = arith.constant 0 : i32
      %sign3A_218 = arith.cmpi slt, %add3A_211, %sign3A_217 : i32
      %sign3A_219 = arith.extui %sign3A_218 : i1 to i32
      %sign3A_220 = arith.subi %sign3A_216, %sign3A_219 : i32
      %sign3A_221 = arith.constant 0 : i32
      %sign3A_222 = arith.cmpi sgt, %jit3A_212, %sign3A_221 : i32
      %sign3A_223 = arith.extui %sign3A_222 : i1 to i32
      %sign3A_224 = arith.constant 0 : i32
      %sign3A_225 = arith.cmpi slt, %jit3A_212, %sign3A_224 : i32
      %sign3A_226 = arith.extui %sign3A_225 : i1 to i32
      %sign3A_227 = arith.subi %sign3A_223, %sign3A_226 : i32
      %ne3A_228 = arith.cmpi ne, %sign3A_220, %sign3A_227 : i32
      %rem3A_229 = arith.remsi %add3A_211, %jit3A_212 : i32
      %ne3A_230 = arith.constant 0 : i32
      %ne3A_231 = arith.cmpi ne, %rem3A_229, %ne3A_230 : i32
      %and3A_232 = arith.andi %ne3A_228, %ne3A_231 : i1
      %sub3A_233 = arith.constant 1 : i32
      %sub3A_234 = arith.subi %div3A_213, %sub3A_233 : i32
      %select_n3A_235 = arith.select %and3A_232, %sub3A_234, %div3A_213 : i32
      %dma_wait3A_236 = arith.constant 0 : i32
      %dma_wait3A_237 = arith.constant 128 : i32
      %dma_wait3A_238 = arith.constant 0 : i32
      %dma_wait3A_239 = tpu.memref_slice %arg10[%dma_wait3A_236, %dma_wait3A_237, %dma_wait3A_238] : memref<2x200x128xf32, #tpu.memory_space<vmem>> -> memref<1x72x128xf32, #tpu.memory_space<vmem>>
      %dma_wait3A_240 = tpu.memref_squeeze %dma_wait3A_239 : memref<1x72x128xf32, #tpu.memory_space<vmem>> -> memref<72x128xf32, #tpu.memory_space<vmem>>
      %dma_wait3A_241 = arith.constant 128 : i32
      %dma_wait3A_242 = tpu.memref_slice %arg8[%select_n3A_235, %dma_wait3A_241] : memref<32x200xi32, #tpu.memory_space<vmem>> -> memref<1x72xi32, #tpu.memory_space<vmem>>
      %dma_wait3A_243 = tpu.memref_squeeze %dma_wait3A_242 : memref<1x72xi32, #tpu.memory_space<vmem>> -> memref<72xi32, #tpu.memory_space<vmem>>
      %dma_wait3A_244 = arith.constant 0 : i32
      %dma_wait3A_245 = arith.constant 0 : i32
      %dma_wait3A_246 = tpu.memref_slice %arg4[%dma_wait3A_244, %dma_wait3A_245] : memref<100000x128xf32, #tpu.memory_space<hbm>> -> memref<100000x128xf32, #tpu.memory_space<hbm>>
      tpu.wait_indirect_dma semaphore(%arg15 : memref<!tpu.dma_semaphore, #tpu.memory_space<semaphore_mem>>) src(%dma_wait3A_246 : memref<100000x128xf32, #tpu.memory_space<hbm>>) dst(%dma_wait3A_240 : memref<72x128xf32, #tpu.memory_space<vmem>>)
      %add3A_247 = arith.constant 1 : i32
      %add3A_248 = arith.addi %mul3A_136, %add3A_247 : i32
      %jit3A_249 = arith.constant 2 : i32
      %div3A_250 = arith.divsi %add3A_248, %jit3A_249 : i32
      %sign3A_251 = arith.constant 0 : i32
      %sign3A_252 = arith.cmpi sgt, %add3A_248, %sign3A_251 : i32
      %sign3A_253 = arith.extui %sign3A_252 : i1 to i32
      %sign3A_254 = arith.constant 0 : i32
      %sign3A_255 = arith.cmpi slt, %add3A_248, %sign3A_254 : i32
      %sign3A_256 = arith.extui %sign3A_255 : i1 to i32
      %sign3A_257 = arith.subi %sign3A_253, %sign3A_256 : i32
      %sign3A_258 = arith.constant 0 : i32
      %sign3A_259 = arith.cmpi sgt, %jit3A_249, %sign3A_258 : i32
      %sign3A_260 = arith.extui %sign3A_259 : i1 to i32
      %sign3A_261 = arith.constant 0 : i32
      %sign3A_262 = arith.cmpi slt, %jit3A_249, %sign3A_261 : i32
      %sign3A_263 = arith.extui %sign3A_262 : i1 to i32
      %sign3A_264 = arith.subi %sign3A_260, %sign3A_263 : i32
      %ne3A_265 = arith.cmpi ne, %sign3A_257, %sign3A_264 : i32
      %rem3A_266 = arith.remsi %add3A_248, %jit3A_249 : i32
      %ne3A_267 = arith.constant 0 : i32
      %ne3A_268 = arith.cmpi ne, %rem3A_266, %ne3A_267 : i32
      %and3A_269 = arith.andi %ne3A_265, %ne3A_268 : i1
      %sub3A_270 = arith.constant 1 : i32
      %sub3A_271 = arith.subi %div3A_250, %sub3A_270 : i32
      %select_n3A_272 = arith.select %and3A_269, %sub3A_271, %div3A_250 : i32
      %add3A_273 = arith.addi %mul3A_2, %select_n3A_272 : i32
      %dma_start3A_274 = arith.constant 0 : i32
      %dma_start3A_275 = arith.constant 128 : i32
      %dma_start3A_276 = arith.constant 0 : i32
      %dma_start3A_277 = tpu.memref_slice %arg10[%dma_start3A_274, %dma_start3A_275, %dma_start3A_276] : memref<2x200x128xf32, #tpu.memory_space<vmem>> -> memref<1x72x128xf32, #tpu.memory_space<vmem>>
      %dma_start3A_278 = tpu.memref_squeeze %dma_start3A_277 : memref<1x72x128xf32, #tpu.memory_space<vmem>> -> memref<72x128xf32, #tpu.memory_space<vmem>>
      %dma_start3A_279 = arith.constant 128 : i32
      %dma_start3A_280 = arith.constant 0 : i32
      %dma_start3A_281 = tpu.memref_slice %arg6[%add3A_273, %dma_start3A_279, %dma_start3A_280] : memref<1024x200x128xf32, #tpu.memory_space<hbm>> -> memref<1x72x128xf32, #tpu.memory_space<hbm>>
      %dma_start3A_282 = tpu.memref_squeeze %dma_start3A_281 : memref<1x72x128xf32, #tpu.memory_space<hbm>> -> memref<72x128xf32, #tpu.memory_space<hbm>>
      %dma_start3A_283 = arith.constant 128 : i32
      %dma_start3A_284 = arith.constant 0 : i32
      %dma_start3A_285 = tpu.memref_slice %arg6[%add3A_273, %dma_start3A_283, %dma_start3A_284] : memref<1024x200x128xf32, #tpu.memory_space<hbm>> -> memref<1x72x128xf32, #tpu.memory_space<hbm>>
      %dma_start3A_286 = tpu.memref_squeeze %dma_start3A_285 : memref<1x72x128xf32, #tpu.memory_space<hbm>> -> memref<72x128xf32, #tpu.memory_space<hbm>>
      %dma_start3A_287 = arith.constant 128 : i32
      %dma_start3A_288 = arith.constant 0 : i32
      %dma_start3A_289 = tpu.memref_slice %arg10[%dma_start3A_274, %dma_start3A_287, %dma_start3A_288] : memref<2x200x128xf32, #tpu.memory_space<vmem>> -> memref<1x72x128xf32, #tpu.memory_space<vmem>>
      %dma_start3A_290 = tpu.memref_squeeze %dma_start3A_289 : memref<1x72x128xf32, #tpu.memory_space<vmem>> -> memref<72x128xf32, #tpu.memory_space<vmem>>
      tpu.enqueue_dma source(%dma_start3A_290 : memref<72x128xf32, #tpu.memory_space<vmem>>) target(%dma_start3A_286 : memref<72x128xf32, #tpu.memory_space<hbm>>) target_semaphore(%arg19 : memref<!tpu.dma_semaphore, #tpu.memory_space<semaphore_mem>>)
      %add3A_291 = arith.constant 2 : i32
      %add3A_292 = arith.addi %mul3A_136, %add3A_291 : i32
      %jit3A_293 = arith.constant 2 : i32
      %div3A_294 = arith.divsi %add3A_292, %jit3A_293 : i32
      %sign3A_295 = arith.constant 0 : i32
      %sign3A_296 = arith.cmpi sgt, %add3A_292, %sign3A_295 : i32
      %sign3A_297 = arith.extui %sign3A_296 : i1 to i32
      %sign3A_298 = arith.constant 0 : i32
      %sign3A_299 = arith.cmpi slt, %add3A_292, %sign3A_298 : i32
      %sign3A_300 = arith.extui %sign3A_299 : i1 to i32
      %sign3A_301 = arith.subi %sign3A_297, %sign3A_300 : i32
      %sign3A_302 = arith.constant 0 : i32
      %sign3A_303 = arith.cmpi sgt, %jit3A_293, %sign3A_302 : i32
      %sign3A_304 = arith.extui %sign3A_303 : i1 to i32
      %sign3A_305 = arith.constant 0 : i32
      %sign3A_306 = arith.cmpi slt, %jit3A_293, %sign3A_305 : i32
      %sign3A_307 = arith.extui %sign3A_306 : i1 to i32
      %sign3A_308 = arith.subi %sign3A_304, %sign3A_307 : i32
      %ne3A_309 = arith.cmpi ne, %sign3A_301, %sign3A_308 : i32
      %rem3A_310 = arith.remsi %add3A_292, %jit3A_293 : i32
      %ne3A_311 = arith.constant 0 : i32
      %ne3A_312 = arith.cmpi ne, %rem3A_310, %ne3A_311 : i32
      %and3A_313 = arith.andi %ne3A_309, %ne3A_312 : i1
      %sub3A_314 = arith.constant 1 : i32
      %sub3A_315 = arith.subi %div3A_294, %sub3A_314 : i32
      %select_n3A_316 = arith.select %and3A_313, %sub3A_315, %div3A_294 : i32
      %dma_wait3A_317 = arith.constant 1 : i32
      %dma_wait3A_318 = arith.constant 0 : i32
      %dma_wait3A_319 = arith.constant 0 : i32
      %dma_wait3A_320 = tpu.memref_slice %arg10[%dma_wait3A_317, %dma_wait3A_318, %dma_wait3A_319] : memref<2x200x128xf32, #tpu.memory_space<vmem>> -> memref<1x128x128xf32, #tpu.memory_space<vmem>>
      %dma_wait3A_321 = tpu.memref_squeeze %dma_wait3A_320 : memref<1x128x128xf32, #tpu.memory_space<vmem>> -> memref<128x128xf32, #tpu.memory_space<vmem>>
      %dma_wait3A_322 = arith.constant 0 : i32
      %dma_wait3A_323 = tpu.memref_slice %arg8[%select_n3A_316, %dma_wait3A_322] : memref<32x200xi32, #tpu.memory_space<vmem>> -> memref<1x128xi32, #tpu.memory_space<vmem>>
      %dma_wait3A_324 = tpu.memref_squeeze %dma_wait3A_323 : memref<1x128xi32, #tpu.memory_space<vmem>> -> memref<128xi32, #tpu.memory_space<vmem>>
      %dma_wait3A_325 = arith.constant 0 : i32
      %dma_wait3A_326 = arith.constant 0 : i32
      %dma_wait3A_327 = tpu.memref_slice %arg4[%dma_wait3A_325, %dma_wait3A_326] : memref<100000x128xf32, #tpu.memory_space<hbm>> -> memref<100000x128xf32, #tpu.memory_space<hbm>>
      tpu.wait_indirect_dma semaphore(%arg16 : memref<!tpu.dma_semaphore, #tpu.memory_space<semaphore_mem>>) src(%dma_wait3A_327 : memref<100000x128xf32, #tpu.memory_space<hbm>>) dst(%dma_wait3A_321 : memref<128x128xf32, #tpu.memory_space<vmem>>)
      %add3A_328 = arith.constant 2 : i32
      %add3A_329 = arith.addi %mul3A_136, %add3A_328 : i32
      %jit3A_330 = arith.constant 2 : i32
      %div3A_331 = arith.divsi %add3A_329, %jit3A_330 : i32
      %sign3A_332 = arith.constant 0 : i32
      %sign3A_333 = arith.cmpi sgt, %add3A_329, %sign3A_332 : i32
      %sign3A_334 = arith.extui %sign3A_333 : i1 to i32
      %sign3A_335 = arith.constant 0 : i32
      %sign3A_336 = arith.cmpi slt, %add3A_329, %sign3A_335 : i32
      %sign3A_337 = arith.extui %sign3A_336 : i1 to i32
      %sign3A_338 = arith.subi %sign3A_334, %sign3A_337 : i32
      %sign3A_339 = arith.constant 0 : i32
      %sign3A_340 = arith.cmpi sgt, %jit3A_330, %sign3A_339 : i32
      %sign3A_341 = arith.extui %sign3A_340 : i1 to i32
      %sign3A_342 = arith.constant 0 : i32
      %sign3A_343 = arith.cmpi slt, %jit3A_330, %sign3A_342 : i32
      %sign3A_344 = arith.extui %sign3A_343 : i1 to i32
      %sign3A_345 = arith.subi %sign3A_341, %sign3A_344 : i32
      %ne3A_346 = arith.cmpi ne, %sign3A_338, %sign3A_345 : i32
      %rem3A_347 = arith.remsi %add3A_329, %jit3A_330 : i32
      %ne3A_348 = arith.constant 0 : i32
      %ne3A_349 = arith.cmpi ne, %rem3A_347, %ne3A_348 : i32
      %and3A_350 = arith.andi %ne3A_346, %ne3A_349 : i1
      %sub3A_351 = arith.constant 1 : i32
      %sub3A_352 = arith.subi %div3A_331, %sub3A_351 : i32
      %select_n3A_353 = arith.select %and3A_350, %sub3A_352, %div3A_331 : i32
      %add3A_354 = arith.addi %mul3A_2, %select_n3A_353 : i32
      %dma_start3A_355 = arith.constant 1 : i32
      %dma_start3A_356 = arith.constant 0 : i32
      %dma_start3A_357 = arith.constant 0 : i32
      %dma_start3A_358 = tpu.memref_slice %arg10[%dma_start3A_355, %dma_start3A_356, %dma_start3A_357] : memref<2x200x128xf32, #tpu.memory_space<vmem>> -> memref<1x128x128xf32, #tpu.memory_space<vmem>>
      %dma_start3A_359 = tpu.memref_squeeze %dma_start3A_358 : memref<1x128x128xf32, #tpu.memory_space<vmem>> -> memref<128x128xf32, #tpu.memory_space<vmem>>
      %dma_start3A_360 = arith.constant 0 : i32
      %dma_start3A_361 = arith.constant 0 : i32
      %dma_start3A_362 = tpu.memref_slice %arg6[%add3A_354, %dma_start3A_360, %dma_start3A_361] : memref<1024x200x128xf32, #tpu.memory_space<hbm>> -> memref<1x128x128xf32, #tpu.memory_space<hbm>>
      %dma_start3A_363 = tpu.memref_squeeze %dma_start3A_362 : memref<1x128x128xf32, #tpu.memory_space<hbm>> -> memref<128x128xf32, #tpu.memory_space<hbm>>
      %dma_start3A_364 = arith.constant 0 : i32
      %dma_start3A_365 = arith.constant 0 : i32
      %dma_start3A_366 = tpu.memref_slice %arg6[%add3A_354, %dma_start3A_364, %dma_start3A_365] : memref<1024x200x128xf32, #tpu.memory_space<hbm>> -> memref<1x128x128xf32, #tpu.memory_space<hbm>>
      %dma_start3A_367 = tpu.memref_squeeze %dma_start3A_366 : memref<1x128x128xf32, #tpu.memory_space<hbm>> -> memref<128x128xf32, #tpu.memory_space<hbm>>
      %dma_start3A_368 = arith.constant 0 : i32
      %dma_start3A_369 = arith.constant 0 : i32
      %dma_start3A_370 = tpu.memref_slice %arg10[%dma_start3A_355, %dma_start3A_368, %dma_start3A_369] : memref<2x200x128xf32, #tpu.memory_space<vmem>> -> memref<1x128x128xf32, #tpu.memory_space<vmem>>
      %dma_start3A_371 = tpu.memref_squeeze %dma_start3A_370 : memref<1x128x128xf32, #tpu.memory_space<vmem>> -> memref<128x128xf32, #tpu.memory_space<vmem>>
      tpu.enqueue_dma source(%dma_start3A_371 : memref<128x128xf32, #tpu.memory_space<vmem>>) target(%dma_start3A_367 : memref<128x128xf32, #tpu.memory_space<hbm>>) target_semaphore(%arg20 : memref<!tpu.dma_semaphore, #tpu.memory_space<semaphore_mem>>)
      %add3A_372 = arith.constant 3 : i32
      %add3A_373 = arith.addi %mul3A_136, %add3A_372 : i32
      %jit3A_374 = arith.constant 2 : i32
      %div3A_375 = arith.divsi %add3A_373, %jit3A_374 : i32
      %sign3A_376 = arith.constant 0 : i32
      %sign3A_377 = arith.cmpi sgt, %add3A_373, %sign3A_376 : i32
      %sign3A_378 = arith.extui %sign3A_377 : i1 to i32
      %sign3A_379 = arith.constant 0 : i32
      %sign3A_380 = arith.cmpi slt, %add3A_373, %sign3A_379 : i32
      %sign3A_381 = arith.extui %sign3A_380 : i1 to i32
      %sign3A_382 = arith.subi %sign3A_378, %sign3A_381 : i32
      %sign3A_383 = arith.constant 0 : i32
      %sign3A_384 = arith.cmpi sgt, %jit3A_374, %sign3A_383 : i32
      %sign3A_385 = arith.extui %sign3A_384 : i1 to i32
      %sign3A_386 = arith.constant 0 : i32
      %sign3A_387 = arith.cmpi slt, %jit3A_374, %sign3A_386 : i32
      %sign3A_388 = arith.extui %sign3A_387 : i1 to i32
      %sign3A_389 = arith.subi %sign3A_385, %sign3A_388 : i32
      %ne3A_390 = arith.cmpi ne, %sign3A_382, %sign3A_389 : i32
      %rem3A_391 = arith.remsi %add3A_373, %jit3A_374 : i32
      %ne3A_392 = arith.constant 0 : i32
      %ne3A_393 = arith.cmpi ne, %rem3A_391, %ne3A_392 : i32
      %and3A_394 = arith.andi %ne3A_390, %ne3A_393 : i1
      %sub3A_395 = arith.constant 1 : i32
      %sub3A_396 = arith.subi %div3A_375, %sub3A_395 : i32
      %select_n3A_397 = arith.select %and3A_394, %sub3A_396, %div3A_375 : i32
      %dma_wait3A_398 = arith.constant 1 : i32
      %dma_wait3A_399 = arith.constant 128 : i32
      %dma_wait3A_400 = arith.constant 0 : i32
      %dma_wait3A_401 = tpu.memref_slice %arg10[%dma_wait3A_398, %dma_wait3A_399, %dma_wait3A_400] : memref<2x200x128xf32, #tpu.memory_space<vmem>> -> memref<1x72x128xf32, #tpu.memory_space<vmem>>
      %dma_wait3A_402 = tpu.memref_squeeze %dma_wait3A_401 : memref<1x72x128xf32, #tpu.memory_space<vmem>> -> memref<72x128xf32, #tpu.memory_space<vmem>>
      %dma_wait3A_403 = arith.constant 128 : i32
      %dma_wait3A_404 = tpu.memref_slice %arg8[%select_n3A_397, %dma_wait3A_403] : memref<32x200xi32, #tpu.memory_space<vmem>> -> memref<1x72xi32, #tpu.memory_space<vmem>>
      %dma_wait3A_405 = tpu.memref_squeeze %dma_wait3A_404 : memref<1x72xi32, #tpu.memory_space<vmem>> -> memref<72xi32, #tpu.memory_space<vmem>>
      %dma_wait3A_406 = arith.constant 0 : i32
      %dma_wait3A_407 = arith.constant 0 : i32
      %dma_wait3A_408 = tpu.memref_slice %arg4[%dma_wait3A_406, %dma_wait3A_407] : memref<100000x128xf32, #tpu.memory_space<hbm>> -> memref<100000x128xf32, #tpu.memory_space<hbm>>
      tpu.wait_indirect_dma semaphore(%arg17 : memref<!tpu.dma_semaphore, #tpu.memory_space<semaphore_mem>>) src(%dma_wait3A_408 : memref<100000x128xf32, #tpu.memory_space<hbm>>) dst(%dma_wait3A_402 : memref<72x128xf32, #tpu.memory_space<vmem>>)
      %add3A_409 = arith.constant 3 : i32
      %add3A_410 = arith.addi %mul3A_136, %add3A_409 : i32
      %jit3A_411 = arith.constant 2 : i32
      %div3A_412 = arith.divsi %add3A_410, %jit3A_411 : i32
      %sign3A_413 = arith.constant 0 : i32
      %sign3A_414 = arith.cmpi sgt, %add3A_410, %sign3A_413 : i32
      %sign3A_415 = arith.extui %sign3A_414 : i1 to i32
      %sign3A_416 = arith.constant 0 : i32
      %sign3A_417 = arith.cmpi slt, %add3A_410, %sign3A_416 : i32
      %sign3A_418 = arith.extui %sign3A_417 : i1 to i32
      %sign3A_419 = arith.subi %sign3A_415, %sign3A_418 : i32
      %sign3A_420 = arith.constant 0 : i32
      %sign3A_421 = arith.cmpi sgt, %jit3A_411, %sign3A_420 : i32
      %sign3A_422 = arith.extui %sign3A_421 : i1 to i32
      %sign3A_423 = arith.constant 0 : i32
      %sign3A_424 = arith.cmpi slt, %jit3A_411, %sign3A_423 : i32
      %sign3A_425 = arith.extui %sign3A_424 : i1 to i32
      %sign3A_426 = arith.subi %sign3A_422, %sign3A_425 : i32
      %ne3A_427 = arith.cmpi ne, %sign3A_419, %sign3A_426 : i32
      %rem3A_428 = arith.remsi %add3A_410, %jit3A_411 : i32
      %ne3A_429 = arith.constant 0 : i32
      %ne3A_430 = arith.cmpi ne, %rem3A_428, %ne3A_429 : i32
      %and3A_431 = arith.andi %ne3A_427, %ne3A_430 : i1
      %sub3A_432 = arith.constant 1 : i32
      %sub3A_433 = arith.subi %div3A_412, %sub3A_432 : i32
      %select_n3A_434 = arith.select %and3A_431, %sub3A_433, %div3A_412 : i32
      %add3A_435 = arith.addi %mul3A_2, %select_n3A_434 : i32
      %dma_start3A_436 = arith.constant 1 : i32
      %dma_start3A_437 = arith.constant 128 : i32
      %dma_start3A_438 = arith.constant 0 : i32
      %dma_start3A_439 = tpu.memref_slice %arg10[%dma_start3A_436, %dma_start3A_437, %dma_start3A_438] : memref<2x200x128xf32, #tpu.memory_space<vmem>> -> memref<1x72x128xf32, #tpu.memory_space<vmem>>
      %dma_start3A_440 = tpu.memref_squeeze %dma_start3A_439 : memref<1x72x128xf32, #tpu.memory_space<vmem>> -> memref<72x128xf32, #tpu.memory_space<vmem>>
      %dma_start3A_441 = arith.constant 128 : i32
      %dma_start3A_442 = arith.constant 0 : i32
      %dma_start3A_443 = tpu.memref_slice %arg6[%add3A_435, %dma_start3A_441, %dma_start3A_442] : memref<1024x200x128xf32, #tpu.memory_space<hbm>> -> memref<1x72x128xf32, #tpu.memory_space<hbm>>
      %dma_start3A_444 = tpu.memref_squeeze %dma_start3A_443 : memref<1x72x128xf32, #tpu.memory_space<hbm>> -> memref<72x128xf32, #tpu.memory_space<hbm>>
      %dma_start3A_445 = arith.constant 128 : i32
      %dma_start3A_446 = arith.constant 0 : i32
      %dma_start3A_447 = tpu.memref_slice %arg6[%add3A_435, %dma_start3A_445, %dma_start3A_446] : memref<1024x200x128xf32, #tpu.memory_space<hbm>> -> memref<1x72x128xf32, #tpu.memory_space<hbm>>
      %dma_start3A_448 = tpu.memref_squeeze %dma_start3A_447 : memref<1x72x128xf32, #tpu.memory_space<hbm>> -> memref<72x128xf32, #tpu.memory_space<hbm>>
      %dma_start3A_449 = arith.constant 128 : i32
      %dma_start3A_450 = arith.constant 0 : i32
      %dma_start3A_451 = tpu.memref_slice %arg10[%dma_start3A_436, %dma_start3A_449, %dma_start3A_450] : memref<2x200x128xf32, #tpu.memory_space<vmem>> -> memref<1x72x128xf32, #tpu.memory_space<vmem>>
      %dma_start3A_452 = tpu.memref_squeeze %dma_start3A_451 : memref<1x72x128xf32, #tpu.memory_space<vmem>> -> memref<72x128xf32, #tpu.memory_space<vmem>>
      tpu.enqueue_dma source(%dma_start3A_452 : memref<72x128xf32, #tpu.memory_space<vmem>>) target(%dma_start3A_448 : memref<72x128xf32, #tpu.memory_space<hbm>>) target_semaphore(%arg21 : memref<!tpu.dma_semaphore, #tpu.memory_space<semaphore_mem>>)
      %mul3A_453 = arith.constant 2 : i32
      %mul3A_454 = arith.muli %add3A_130, %mul3A_453 : i32
      %add3A_455 = arith.constant 0 : i32
      %add3A_456 = arith.addi %mul3A_454, %add3A_455 : i32
      %mul3A_457 = arith.constant 2 : i32
      %mul3A_458 = arith.muli %add3A_130, %mul3A_457 : i32
      %add3A_459 = arith.constant 1 : i32
      %add3A_460 = arith.addi %mul3A_458, %add3A_459 : i32
      %dma_wait3A_461 = arith.constant 0 : i32
      %dma_wait3A_462 = arith.constant 0 : i32
      %dma_wait3A_463 = arith.constant 0 : i32
      %dma_wait3A_464 = arith.constant 0 : i32
      %dma_wait3A_465 = tpu.memref_slice %arg11[%dma_wait3A_461, %dma_wait3A_462, %dma_wait3A_463, %dma_wait3A_464] : memref<2x2x50x128xf32, #tpu.memory_space<vmem>> -> memref<1x1x50x128xf32, #tpu.memory_space<vmem>>
      %dma_wait3A_466 = tpu.memref_squeeze %dma_wait3A_465 : memref<1x1x50x128xf32, #tpu.memory_space<vmem>> -> memref<50x128xf32, #tpu.memory_space<vmem>>
      %dma_wait3A_467 = arith.constant 0 : i32
      %dma_wait3A_468 = tpu.memref_slice %arg9[%add3A_456, %dma_wait3A_467] : memref<32x50xi32, #tpu.memory_space<vmem>> -> memref<1x50xi32, #tpu.memory_space<vmem>>
      %dma_wait3A_469 = tpu.memref_squeeze %dma_wait3A_468 : memref<1x50xi32, #tpu.memory_space<vmem>> -> memref<50xi32, #tpu.memory_space<vmem>>
      %dma_wait3A_470 = arith.constant 0 : i32
      %dma_wait3A_471 = arith.constant 0 : i32
      %dma_wait3A_472 = tpu.memref_slice %arg5[%dma_wait3A_470, %dma_wait3A_471] : memref<100000x128xf32, #tpu.memory_space<hbm>> -> memref<100000x128xf32, #tpu.memory_space<hbm>>
      tpu.wait_indirect_dma semaphore(%arg22 : memref<!tpu.dma_semaphore, #tpu.memory_space<semaphore_mem>>) src(%dma_wait3A_472 : memref<100000x128xf32, #tpu.memory_space<hbm>>) dst(%dma_wait3A_466 : memref<50x128xf32, #tpu.memory_space<vmem>>)
      %dma_wait3A_473 = arith.constant 0 : i32
      %dma_wait3A_474 = arith.constant 1 : i32
      %dma_wait3A_475 = arith.constant 0 : i32
      %dma_wait3A_476 = arith.constant 0 : i32
      %dma_wait3A_477 = tpu.memref_slice %arg11[%dma_wait3A_473, %dma_wait3A_474, %dma_wait3A_475, %dma_wait3A_476] : memref<2x2x50x128xf32, #tpu.memory_space<vmem>> -> memref<1x1x50x128xf32, #tpu.memory_space<vmem>>
      %dma_wait3A_478 = tpu.memref_squeeze %dma_wait3A_477 : memref<1x1x50x128xf32, #tpu.memory_space<vmem>> -> memref<50x128xf32, #tpu.memory_space<vmem>>
      %dma_wait3A_479 = arith.constant 0 : i32
      %dma_wait3A_480 = tpu.memref_slice %arg9[%add3A_460, %dma_wait3A_479] : memref<32x50xi32, #tpu.memory_space<vmem>> -> memref<1x50xi32, #tpu.memory_space<vmem>>
      %dma_wait3A_481 = tpu.memref_squeeze %dma_wait3A_480 : memref<1x50xi32, #tpu.memory_space<vmem>> -> memref<50xi32, #tpu.memory_space<vmem>>
      %dma_wait3A_482 = arith.constant 0 : i32
      %dma_wait3A_483 = arith.constant 0 : i32
      %dma_wait3A_484 = tpu.memref_slice %arg5[%dma_wait3A_482, %dma_wait3A_483] : memref<100000x128xf32, #tpu.memory_space<hbm>> -> memref<100000x128xf32, #tpu.memory_space<hbm>>
      tpu.wait_indirect_dma semaphore(%arg22 : memref<!tpu.dma_semaphore, #tpu.memory_space<semaphore_mem>>) src(%dma_wait3A_484 : memref<100000x128xf32, #tpu.memory_space<hbm>>) dst(%dma_wait3A_478 : memref<50x128xf32, #tpu.memory_space<vmem>>)
      %mul3A_485 = arith.constant 2 : i32
      %mul3A_486 = arith.muli %add3A_130, %mul3A_485 : i32
      %add3A_487 = arith.addi %mul3A_2, %mul3A_486 : i32
      %dma_start3A_488 = arith.constant 0 : i32
      %dma_start3A_489 = arith.constant 0 : i32
      %dma_start3A_490 = arith.constant 0 : i32
      %dma_start3A_491 = arith.constant 0 : i32
      %dma_start3A_492 = tpu.memref_slice %arg11[%dma_start3A_488, %dma_start3A_489, %dma_start3A_490, %dma_start3A_491] : memref<2x2x50x128xf32, #tpu.memory_space<vmem>> -> memref<1x2x50x128xf32, #tpu.memory_space<vmem>>
      %dma_start3A_493 = tpu.memref_squeeze %dma_start3A_492 : memref<1x2x50x128xf32, #tpu.memory_space<vmem>> -> memref<2x50x128xf32, #tpu.memory_space<vmem>>
      %dma_start3A_494 = arith.constant 0 : i32
      %dma_start3A_495 = arith.constant 0 : i32
      %dma_start3A_496 = tpu.memref_slice %arg7[%add3A_487, %dma_start3A_494, %dma_start3A_495] : memref<1024x50x128xf32, #tpu.memory_space<hbm>> -> memref<2x50x128xf32, #tpu.memory_space<hbm>>
      %dma_start3A_497 = arith.constant 0 : i32
      %dma_start3A_498 = arith.constant 0 : i32
      %dma_start3A_499 = tpu.memref_slice %arg7[%add3A_487, %dma_start3A_497, %dma_start3A_498] : memref<1024x50x128xf32, #tpu.memory_space<hbm>> -> memref<2x50x128xf32, #tpu.memory_space<hbm>>
      %dma_start3A_500 = arith.constant 0 : i32
      %dma_start3A_501 = arith.constant 0 : i32
      %dma_start3A_502 = arith.constant 0 : i32
      %dma_start3A_503 = tpu.memref_slice %arg11[%dma_start3A_488, %dma_start3A_500, %dma_start3A_501, %dma_start3A_502] : memref<2x2x50x128xf32, #tpu.memory_space<vmem>> -> memref<1x2x50x128xf32, #tpu.memory_space<vmem>>
      %dma_start3A_504 = tpu.memref_squeeze %dma_start3A_503 : memref<1x2x50x128xf32, #tpu.memory_space<vmem>> -> memref<2x50x128xf32, #tpu.memory_space<vmem>>
      tpu.enqueue_dma source(%dma_start3A_504 : memref<2x50x128xf32, #tpu.memory_space<vmem>>) target(%dma_start3A_499 : memref<2x50x128xf32, #tpu.memory_space<hbm>>) target_semaphore(%arg24 : memref<!tpu.dma_semaphore, #tpu.memory_space<semaphore_mem>>)
      %add3A_505 = arith.constant 0 : i32
      %add3A_506 = arith.addi %mul3A_136, %add3A_505 : i32
      %jit3A_507 = arith.constant 2 : i32
      %div3A_508 = arith.divsi %add3A_506, %jit3A_507 : i32
      %sign3A_509 = arith.constant 0 : i32
      %sign3A_510 = arith.cmpi sgt, %add3A_506, %sign3A_509 : i32
      %sign3A_511 = arith.extui %sign3A_510 : i1 to i32
      %sign3A_512 = arith.constant 0 : i32
      %sign3A_513 = arith.cmpi slt, %add3A_506, %sign3A_512 : i32
      %sign3A_514 = arith.extui %sign3A_513 : i1 to i32
      %sign3A_515 = arith.subi %sign3A_511, %sign3A_514 : i32
      %sign3A_516 = arith.constant 0 : i32
      %sign3A_517 = arith.cmpi sgt, %jit3A_507, %sign3A_516 : i32
      %sign3A_518 = arith.extui %sign3A_517 : i1 to i32
      %sign3A_519 = arith.constant 0 : i32
      %sign3A_520 = arith.cmpi slt, %jit3A_507, %sign3A_519 : i32
      %sign3A_521 = arith.extui %sign3A_520 : i1 to i32
      %sign3A_522 = arith.subi %sign3A_518, %sign3A_521 : i32
      %ne3A_523 = arith.cmpi ne, %sign3A_515, %sign3A_522 : i32
      %rem3A_524 = arith.remsi %add3A_506, %jit3A_507 : i32
      %ne3A_525 = arith.constant 0 : i32
      %ne3A_526 = arith.cmpi ne, %rem3A_524, %ne3A_525 : i32
      %and3A_527 = arith.andi %ne3A_523, %ne3A_526 : i1
      %sub3A_528 = arith.constant 1 : i32
      %sub3A_529 = arith.subi %div3A_508, %sub3A_528 : i32
      %select_n3A_530 = arith.select %and3A_527, %sub3A_529, %div3A_508 : i32
      %add3A_531 = arith.addi %mul3A_2, %select_n3A_530 : i32
      %dma_wait3A_532 = arith.constant 0 : i32
      %dma_wait3A_533 = arith.constant 0 : i32
      %dma_wait3A_534 = arith.constant 0 : i32
      %dma_wait3A_535 = tpu.memref_slice %arg10[%dma_wait3A_532, %dma_wait3A_533, %dma_wait3A_534] : memref<2x200x128xf32, #tpu.memory_space<vmem>> -> memref<1x128x128xf32, #tpu.memory_space<vmem>>
      %dma_wait3A_536 = tpu.memref_squeeze %dma_wait3A_535 : memref<1x128x128xf32, #tpu.memory_space<vmem>> -> memref<128x128xf32, #tpu.memory_space<vmem>>
      %dma_wait3A_537 = arith.constant 0 : i32
      %dma_wait3A_538 = arith.constant 0 : i32
      %dma_wait3A_539 = tpu.memref_slice %arg6[%add3A_531, %dma_wait3A_537, %dma_wait3A_538] : memref<1024x200x128xf32, #tpu.memory_space<hbm>> -> memref<1x128x128xf32, #tpu.memory_space<hbm>>
      %dma_wait3A_540 = tpu.memref_squeeze %dma_wait3A_539 : memref<1x128x128xf32, #tpu.memory_space<hbm>> -> memref<128x128xf32, #tpu.memory_space<hbm>>
      %dma_wait3A_541 = arith.constant 0 : i32
      %dma_wait3A_542 = arith.constant 0 : i32
      %dma_wait3A_543 = tpu.memref_slice %arg6[%add3A_531, %dma_wait3A_541, %dma_wait3A_542] : memref<1024x200x128xf32, #tpu.memory_space<hbm>> -> memref<1x128x128xf32, #tpu.memory_space<hbm>>
      %dma_wait3A_544 = tpu.memref_squeeze %dma_wait3A_543 : memref<1x128x128xf32, #tpu.memory_space<hbm>> -> memref<128x128xf32, #tpu.memory_space<hbm>>
      %dma_wait3A_545 = arith.constant 0 : i32
      %dma_wait3A_546 = arith.constant 0 : i32
      %dma_wait3A_547 = tpu.memref_slice %arg10[%dma_wait3A_532, %dma_wait3A_545, %dma_wait3A_546] : memref<2x200x128xf32, #tpu.memory_space<vmem>> -> memref<1x128x128xf32, #tpu.memory_space<vmem>>
      %dma_wait3A_548 = tpu.memref_squeeze %dma_wait3A_547 : memref<1x128x128xf32, #tpu.memory_space<vmem>> -> memref<128x128xf32, #tpu.memory_space<vmem>>
      tpu.wait_dma2 semaphore(%arg18 : memref<!tpu.dma_semaphore, #tpu.memory_space<semaphore_mem>>) src(%dma_wait3A_548 : memref<128x128xf32, #tpu.memory_space<vmem>>) dst(%dma_wait3A_544 : memref<128x128xf32, #tpu.memory_space<hbm>>)
      %add3A_549 = arith.constant 0 : i32
      %add3A_550 = arith.addi %mul3A_136, %add3A_549 : i32
      %add3A_551 = arith.constant 4 : i32
      %add3A_552 = arith.addi %add3A_550, %add3A_551 : i32
      %lt3A = arith.constant 64 : i32
      %lt3A_553 = arith.cmpi slt, %add3A_552, %lt3A : i32
      %convert_element_type3A = arith.extui %lt3A_553 : i1 to i32
      %cond3A = arith.constant 0 : i32
      %cond3A_554 = arith.cmpi ne, %convert_element_type3A, %cond3A : i32
      scf.if %cond3A_554 {
        %add3A_1366 = arith.constant 0 : i32
        %add3A_1367 = arith.addi %mul3A_136, %add3A_1366 : i32
        %add3A_1368 = arith.constant 4 : i32
        %add3A_1369 = arith.addi %add3A_1367, %add3A_1368 : i32
        %jit3A_1370 = arith.constant 2 : i32
        %div3A_1371 = arith.divsi %add3A_1369, %jit3A_1370 : i32
        %sign3A_1372 = arith.constant 0 : i32
        %sign3A_1373 = arith.cmpi sgt, %add3A_1369, %sign3A_1372 : i32
        %sign3A_1374 = arith.extui %sign3A_1373 : i1 to i32
        %sign3A_1375 = arith.constant 0 : i32
        %sign3A_1376 = arith.cmpi slt, %add3A_1369, %sign3A_1375 : i32
        %sign3A_1377 = arith.extui %sign3A_1376 : i1 to i32
        %sign3A_1378 = arith.subi %sign3A_1374, %sign3A_1377 : i32
        %sign3A_1379 = arith.constant 0 : i32
        %sign3A_1380 = arith.cmpi sgt, %jit3A_1370, %sign3A_1379 : i32
        %sign3A_1381 = arith.extui %sign3A_1380 : i1 to i32
        %sign3A_1382 = arith.constant 0 : i32
        %sign3A_1383 = arith.cmpi slt, %jit3A_1370, %sign3A_1382 : i32
        %sign3A_1384 = arith.extui %sign3A_1383 : i1 to i32
        %sign3A_1385 = arith.subi %sign3A_1381, %sign3A_1384 : i32
        %ne3A_1386 = arith.cmpi ne, %sign3A_1378, %sign3A_1385 : i32
        %rem3A_1387 = arith.remsi %add3A_1369, %jit3A_1370 : i32
        %ne3A_1388 = arith.constant 0 : i32
        %ne3A_1389 = arith.cmpi ne, %rem3A_1387, %ne3A_1388 : i32
        %and3A_1390 = arith.andi %ne3A_1386, %ne3A_1389 : i1
        %sub3A_1391 = arith.constant 1 : i32
        %sub3A_1392 = arith.subi %div3A_1371, %sub3A_1391 : i32
        %select_n3A_1393 = arith.select %and3A_1390, %sub3A_1392, %div3A_1371 : i32
        %dma_start3A_1394 = arith.constant 0 : i32
        %dma_start3A_1395 = arith.constant 0 : i32
        %dma_start3A_1396 = arith.constant 0 : i32
        %dma_start3A_1397 = tpu.memref_slice %arg10[%dma_start3A_1394, %dma_start3A_1395, %dma_start3A_1396] : memref<2x200x128xf32, #tpu.memory_space<vmem>> -> memref<1x128x128xf32, #tpu.memory_space<vmem>>
        %dma_start3A_1398 = tpu.memref_squeeze %dma_start3A_1397 : memref<1x128x128xf32, #tpu.memory_space<vmem>> -> memref<128x128xf32, #tpu.memory_space<vmem>>
        %dma_start3A_1399 = arith.constant 0 : i32
        %dma_start3A_1400 = tpu.memref_slice %arg8[%select_n3A_1393, %dma_start3A_1399] : memref<32x200xi32, #tpu.memory_space<vmem>> -> memref<1x128xi32, #tpu.memory_space<vmem>>
        %dma_start3A_1401 = tpu.memref_squeeze %dma_start3A_1400 : memref<1x128xi32, #tpu.memory_space<vmem>> -> memref<128xi32, #tpu.memory_space<vmem>>
        %dma_start3A_1402 = arith.constant 0 : i32
        %dma_start3A_1403 = arith.constant 0 : i32
        %dma_start3A_1404 = tpu.memref_slice %arg4[%dma_start3A_1402, %dma_start3A_1403] : memref<100000x128xf32, #tpu.memory_space<hbm>> -> memref<100000x128xf32, #tpu.memory_space<hbm>>
        tpu.enqueue_indirect_dma source(%dma_start3A_1404 : memref<100000x128xf32, #tpu.memory_space<hbm>>) target(%dma_start3A_1398 : memref<128x128xf32, #tpu.memory_space<vmem>>) offsets(%dma_start3A_1401 : memref<128xi32, #tpu.memory_space<vmem>>) semaphore(%arg14 : memref<!tpu.dma_semaphore, #tpu.memory_space<semaphore_mem>>)
      } else {
      }
      %add3A_555 = arith.constant 1 : i32
      %add3A_556 = arith.addi %mul3A_136, %add3A_555 : i32
      %jit3A_557 = arith.constant 2 : i32
      %div3A_558 = arith.divsi %add3A_556, %jit3A_557 : i32
      %sign3A_559 = arith.constant 0 : i32
      %sign3A_560 = arith.cmpi sgt, %add3A_556, %sign3A_559 : i32
      %sign3A_561 = arith.extui %sign3A_560 : i1 to i32
      %sign3A_562 = arith.constant 0 : i32
      %sign3A_563 = arith.cmpi slt, %add3A_556, %sign3A_562 : i32
      %sign3A_564 = arith.extui %sign3A_563 : i1 to i32
      %sign3A_565 = arith.subi %sign3A_561, %sign3A_564 : i32
      %sign3A_566 = arith.constant 0 : i32
      %sign3A_567 = arith.cmpi sgt, %jit3A_557, %sign3A_566 : i32
      %sign3A_568 = arith.extui %sign3A_567 : i1 to i32
      %sign3A_569 = arith.constant 0 : i32
      %sign3A_570 = arith.cmpi slt, %jit3A_557, %sign3A_569 : i32
      %sign3A_571 = arith.extui %sign3A_570 : i1 to i32
      %sign3A_572 = arith.subi %sign3A_568, %sign3A_571 : i32
      %ne3A_573 = arith.cmpi ne, %sign3A_565, %sign3A_572 : i32
      %rem3A_574 = arith.remsi %add3A_556, %jit3A_557 : i32
      %ne3A_575 = arith.constant 0 : i32
      %ne3A_576 = arith.cmpi ne, %rem3A_574, %ne3A_575 : i32
      %and3A_577 = arith.andi %ne3A_573, %ne3A_576 : i1
      %sub3A_578 = arith.constant 1 : i32
      %sub3A_579 = arith.subi %div3A_558, %sub3A_578 : i32
      %select_n3A_580 = arith.select %and3A_577, %sub3A_579, %div3A_558 : i32
      %add3A_581 = arith.addi %mul3A_2, %select_n3A_580 : i32
      %dma_wait3A_582 = arith.constant 0 : i32
      %dma_wait3A_583 = arith.constant 128 : i32
      %dma_wait3A_584 = arith.constant 0 : i32
      %dma_wait3A_585 = tpu.memref_slice %arg10[%dma_wait3A_582, %dma_wait3A_583, %dma_wait3A_584] : memref<2x200x128xf32, #tpu.memory_space<vmem>> -> memref<1x72x128xf32, #tpu.memory_space<vmem>>
      %dma_wait3A_586 = tpu.memref_squeeze %dma_wait3A_585 : memref<1x72x128xf32, #tpu.memory_space<vmem>> -> memref<72x128xf32, #tpu.memory_space<vmem>>
      %dma_wait3A_587 = arith.constant 128 : i32
      %dma_wait3A_588 = arith.constant 0 : i32
      %dma_wait3A_589 = tpu.memref_slice %arg6[%add3A_581, %dma_wait3A_587, %dma_wait3A_588] : memref<1024x200x128xf32, #tpu.memory_space<hbm>> -> memref<1x72x128xf32, #tpu.memory_space<hbm>>
      %dma_wait3A_590 = tpu.memref_squeeze %dma_wait3A_589 : memref<1x72x128xf32, #tpu.memory_space<hbm>> -> memref<72x128xf32, #tpu.memory_space<hbm>>
      %dma_wait3A_591 = arith.constant 128 : i32
      %dma_wait3A_592 = arith.constant 0 : i32
      %dma_wait3A_593 = tpu.memref_slice %arg6[%add3A_581, %dma_wait3A_591, %dma_wait3A_592] : memref<1024x200x128xf32, #tpu.memory_space<hbm>> -> memref<1x72x128xf32, #tpu.memory_space<hbm>>
      %dma_wait3A_594 = tpu.memref_squeeze %dma_wait3A_593 : memref<1x72x128xf32, #tpu.memory_space<hbm>> -> memref<72x128xf32, #tpu.memory_space<hbm>>
      %dma_wait3A_595 = arith.constant 128 : i32
      %dma_wait3A_596 = arith.constant 0 : i32
      %dma_wait3A_597 = tpu.memref_slice %arg10[%dma_wait3A_582, %dma_wait3A_595, %dma_wait3A_596] : memref<2x200x128xf32, #tpu.memory_space<vmem>> -> memref<1x72x128xf32, #tpu.memory_space<vmem>>
      %dma_wait3A_598 = tpu.memref_squeeze %dma_wait3A_597 : memref<1x72x128xf32, #tpu.memory_space<vmem>> -> memref<72x128xf32, #tpu.memory_space<vmem>>
      tpu.wait_dma2 semaphore(%arg19 : memref<!tpu.dma_semaphore, #tpu.memory_space<semaphore_mem>>) src(%dma_wait3A_598 : memref<72x128xf32, #tpu.memory_space<vmem>>) dst(%dma_wait3A_594 : memref<72x128xf32, #tpu.memory_space<hbm>>)
      %add3A_599 = arith.constant 1 : i32
      %add3A_600 = arith.addi %mul3A_136, %add3A_599 : i32
      %add3A_601 = arith.constant 4 : i32
      %add3A_602 = arith.addi %add3A_600, %add3A_601 : i32
      %lt3A_603 = arith.constant 64 : i32
      %lt3A_604 = arith.cmpi slt, %add3A_602, %lt3A_603 : i32
      %convert_element_type3A_605 = arith.extui %lt3A_604 : i1 to i32
      %cond3A_606 = arith.constant 0 : i32
      %cond3A_607 = arith.cmpi ne, %convert_element_type3A_605, %cond3A_606 : i32
      scf.if %cond3A_607 {
        %add3A_1366 = arith.constant 1 : i32
        %add3A_1367 = arith.addi %mul3A_136, %add3A_1366 : i32
        %add3A_1368 = arith.constant 4 : i32
        %add3A_1369 = arith.addi %add3A_1367, %add3A_1368 : i32
        %jit3A_1370 = arith.constant 2 : i32
        %div3A_1371 = arith.divsi %add3A_1369, %jit3A_1370 : i32
        %sign3A_1372 = arith.constant 0 : i32
        %sign3A_1373 = arith.cmpi sgt, %add3A_1369, %sign3A_1372 : i32
        %sign3A_1374 = arith.extui %sign3A_1373 : i1 to i32
        %sign3A_1375 = arith.constant 0 : i32
        %sign3A_1376 = arith.cmpi slt, %add3A_1369, %sign3A_1375 : i32
        %sign3A_1377 = arith.extui %sign3A_1376 : i1 to i32
        %sign3A_1378 = arith.subi %sign3A_1374, %sign3A_1377 : i32
        %sign3A_1379 = arith.constant 0 : i32
        %sign3A_1380 = arith.cmpi sgt, %jit3A_1370, %sign3A_1379 : i32
        %sign3A_1381 = arith.extui %sign3A_1380 : i1 to i32
        %sign3A_1382 = arith.constant 0 : i32
        %sign3A_1383 = arith.cmpi slt, %jit3A_1370, %sign3A_1382 : i32
        %sign3A_1384 = arith.extui %sign3A_1383 : i1 to i32
        %sign3A_1385 = arith.subi %sign3A_1381, %sign3A_1384 : i32
        %ne3A_1386 = arith.cmpi ne, %sign3A_1378, %sign3A_1385 : i32
        %rem3A_1387 = arith.remsi %add3A_1369, %jit3A_1370 : i32
        %ne3A_1388 = arith.constant 0 : i32
        %ne3A_1389 = arith.cmpi ne, %rem3A_1387, %ne3A_1388 : i32
        %and3A_1390 = arith.andi %ne3A_1386, %ne3A_1389 : i1
        %sub3A_1391 = arith.constant 1 : i32
        %sub3A_1392 = arith.subi %div3A_1371, %sub3A_1391 : i32
        %select_n3A_1393 = arith.select %and3A_1390, %sub3A_1392, %div3A_1371 : i32
        %dma_start3A_1394 = arith.constant 0 : i32
        %dma_start3A_1395 = arith.constant 128 : i32
        %dma_start3A_1396 = arith.constant 0 : i32
        %dma_start3A_1397 = tpu.memref_slice %arg10[%dma_start3A_1394, %dma_start3A_1395, %dma_start3A_1396] : memref<2x200x128xf32, #tpu.memory_space<vmem>> -> memref<1x72x128xf32, #tpu.memory_space<vmem>>
        %dma_start3A_1398 = tpu.memref_squeeze %dma_start3A_1397 : memref<1x72x128xf32, #tpu.memory_space<vmem>> -> memref<72x128xf32, #tpu.memory_space<vmem>>
        %dma_start3A_1399 = arith.constant 128 : i32
        %dma_start3A_1400 = tpu.memref_slice %arg8[%select_n3A_1393, %dma_start3A_1399] : memref<32x200xi32, #tpu.memory_space<vmem>> -> memref<1x72xi32, #tpu.memory_space<vmem>>
        %dma_start3A_1401 = tpu.memref_squeeze %dma_start3A_1400 : memref<1x72xi32, #tpu.memory_space<vmem>> -> memref<72xi32, #tpu.memory_space<vmem>>
        %dma_start3A_1402 = arith.constant 0 : i32
        %dma_start3A_1403 = arith.constant 0 : i32
        %dma_start3A_1404 = tpu.memref_slice %arg4[%dma_start3A_1402, %dma_start3A_1403] : memref<100000x128xf32, #tpu.memory_space<hbm>> -> memref<100000x128xf32, #tpu.memory_space<hbm>>
        tpu.enqueue_indirect_dma source(%dma_start3A_1404 : memref<100000x128xf32, #tpu.memory_space<hbm>>) target(%dma_start3A_1398 : memref<72x128xf32, #tpu.memory_space<vmem>>) offsets(%dma_start3A_1401 : memref<72xi32, #tpu.memory_space<vmem>>) semaphore(%arg15 : memref<!tpu.dma_semaphore, #tpu.memory_space<semaphore_mem>>)
      } else {
      }
      %add3A_608 = arith.constant 2 : i32
      %add3A_609 = arith.addi %mul3A_136, %add3A_608 : i32
      %jit3A_610 = arith.constant 2 : i32
      %div3A_611 = arith.divsi %add3A_609, %jit3A_610 : i32
      %sign3A_612 = arith.constant 0 : i32
      %sign3A_613 = arith.cmpi sgt, %add3A_609, %sign3A_612 : i32
      %sign3A_614 = arith.extui %sign3A_613 : i1 to i32
      %sign3A_615 = arith.constant 0 : i32
      %sign3A_616 = arith.cmpi slt, %add3A_609, %sign3A_615 : i32
      %sign3A_617 = arith.extui %sign3A_616 : i1 to i32
      %sign3A_618 = arith.subi %sign3A_614, %sign3A_617 : i32
      %sign3A_619 = arith.constant 0 : i32
      %sign3A_620 = arith.cmpi sgt, %jit3A_610, %sign3A_619 : i32
      %sign3A_621 = arith.extui %sign3A_620 : i1 to i32
      %sign3A_622 = arith.constant 0 : i32
      %sign3A_623 = arith.cmpi slt, %jit3A_610, %sign3A_622 : i32
      %sign3A_624 = arith.extui %sign3A_623 : i1 to i32
      %sign3A_625 = arith.subi %sign3A_621, %sign3A_624 : i32
      %ne3A_626 = arith.cmpi ne, %sign3A_618, %sign3A_625 : i32
      %rem3A_627 = arith.remsi %add3A_609, %jit3A_610 : i32
      %ne3A_628 = arith.constant 0 : i32
      %ne3A_629 = arith.cmpi ne, %rem3A_627, %ne3A_628 : i32
      %and3A_630 = arith.andi %ne3A_626, %ne3A_629 : i1
      %sub3A_631 = arith.constant 1 : i32
      %sub3A_632 = arith.subi %div3A_611, %sub3A_631 : i32
      %select_n3A_633 = arith.select %and3A_630, %sub3A_632, %div3A_611 : i32
      %add3A_634 = arith.addi %mul3A_2, %select_n3A_633 : i32
      %dma_wait3A_635 = arith.constant 1 : i32
      %dma_wait3A_636 = arith.constant 0 : i32
      %dma_wait3A_637 = arith.constant 0 : i32
      %dma_wait3A_638 = tpu.memref_slice %arg10[%dma_wait3A_635, %dma_wait3A_636, %dma_wait3A_637] : memref<2x200x128xf32, #tpu.memory_space<vmem>> -> memref<1x128x128xf32, #tpu.memory_space<vmem>>
      %dma_wait3A_639 = tpu.memref_squeeze %dma_wait3A_638 : memref<1x128x128xf32, #tpu.memory_space<vmem>> -> memref<128x128xf32, #tpu.memory_space<vmem>>
      %dma_wait3A_640 = arith.constant 0 : i32
      %dma_wait3A_641 = arith.constant 0 : i32
      %dma_wait3A_642 = tpu.memref_slice %arg6[%add3A_634, %dma_wait3A_640, %dma_wait3A_641] : memref<1024x200x128xf32, #tpu.memory_space<hbm>> -> memref<1x128x128xf32, #tpu.memory_space<hbm>>
      %dma_wait3A_643 = tpu.memref_squeeze %dma_wait3A_642 : memref<1x128x128xf32, #tpu.memory_space<hbm>> -> memref<128x128xf32, #tpu.memory_space<hbm>>
      %dma_wait3A_644 = arith.constant 0 : i32
      %dma_wait3A_645 = arith.constant 0 : i32
      %dma_wait3A_646 = tpu.memref_slice %arg6[%add3A_634, %dma_wait3A_644, %dma_wait3A_645] : memref<1024x200x128xf32, #tpu.memory_space<hbm>> -> memref<1x128x128xf32, #tpu.memory_space<hbm>>
      %dma_wait3A_647 = tpu.memref_squeeze %dma_wait3A_646 : memref<1x128x128xf32, #tpu.memory_space<hbm>> -> memref<128x128xf32, #tpu.memory_space<hbm>>
      %dma_wait3A_648 = arith.constant 0 : i32
      %dma_wait3A_649 = arith.constant 0 : i32
      %dma_wait3A_650 = tpu.memref_slice %arg10[%dma_wait3A_635, %dma_wait3A_648, %dma_wait3A_649] : memref<2x200x128xf32, #tpu.memory_space<vmem>> -> memref<1x128x128xf32, #tpu.memory_space<vmem>>
      %dma_wait3A_651 = tpu.memref_squeeze %dma_wait3A_650 : memref<1x128x128xf32, #tpu.memory_space<vmem>> -> memref<128x128xf32, #tpu.memory_space<vmem>>
      tpu.wait_dma2 semaphore(%arg20 : memref<!tpu.dma_semaphore, #tpu.memory_space<semaphore_mem>>) src(%dma_wait3A_651 : memref<128x128xf32, #tpu.memory_space<vmem>>) dst(%dma_wait3A_647 : memref<128x128xf32, #tpu.memory_space<hbm>>)
      %add3A_652 = arith.constant 2 : i32
      %add3A_653 = arith.addi %mul3A_136, %add3A_652 : i32
      %add3A_654 = arith.constant 4 : i32
      %add3A_655 = arith.addi %add3A_653, %add3A_654 : i32
      %lt3A_656 = arith.constant 64 : i32
      %lt3A_657 = arith.cmpi slt, %add3A_655, %lt3A_656 : i32
      %convert_element_type3A_658 = arith.extui %lt3A_657 : i1 to i32
      %cond3A_659 = arith.constant 0 : i32
      %cond3A_660 = arith.cmpi ne, %convert_element_type3A_658, %cond3A_659 : i32
      scf.if %cond3A_660 {
        %add3A_1366 = arith.constant 2 : i32
        %add3A_1367 = arith.addi %mul3A_136, %add3A_1366 : i32
        %add3A_1368 = arith.constant 4 : i32
        %add3A_1369 = arith.addi %add3A_1367, %add3A_1368 : i32
        %jit3A_1370 = arith.constant 2 : i32
        %div3A_1371 = arith.divsi %add3A_1369, %jit3A_1370 : i32
        %sign3A_1372 = arith.constant 0 : i32
        %sign3A_1373 = arith.cmpi sgt, %add3A_1369, %sign3A_1372 : i32
        %sign3A_1374 = arith.extui %sign3A_1373 : i1 to i32
        %sign3A_1375 = arith.constant 0 : i32
        %sign3A_1376 = arith.cmpi slt, %add3A_1369, %sign3A_1375 : i32
        %sign3A_1377 = arith.extui %sign3A_1376 : i1 to i32
        %sign3A_1378 = arith.subi %sign3A_1374, %sign3A_1377 : i32
        %sign3A_1379 = arith.constant 0 : i32
        %sign3A_1380 = arith.cmpi sgt, %jit3A_1370, %sign3A_1379 : i32
        %sign3A_1381 = arith.extui %sign3A_1380 : i1 to i32
        %sign3A_1382 = arith.constant 0 : i32
        %sign3A_1383 = arith.cmpi slt, %jit3A_1370, %sign3A_1382 : i32
        %sign3A_1384 = arith.extui %sign3A_1383 : i1 to i32
        %sign3A_1385 = arith.subi %sign3A_1381, %sign3A_1384 : i32
        %ne3A_1386 = arith.cmpi ne, %sign3A_1378, %sign3A_1385 : i32
        %rem3A_1387 = arith.remsi %add3A_1369, %jit3A_1370 : i32
        %ne3A_1388 = arith.constant 0 : i32
        %ne3A_1389 = arith.cmpi ne, %rem3A_1387, %ne3A_1388 : i32
        %and3A_1390 = arith.andi %ne3A_1386, %ne3A_1389 : i1
        %sub3A_1391 = arith.constant 1 : i32
        %sub3A_1392 = arith.subi %div3A_1371, %sub3A_1391 : i32
        %select_n3A_1393 = arith.select %and3A_1390, %sub3A_1392, %div3A_1371 : i32
        %dma_start3A_1394 = arith.constant 1 : i32
        %dma_start3A_1395 = arith.constant 0 : i32
        %dma_start3A_1396 = arith.constant 0 : i32
        %dma_start3A_1397 = tpu.memref_slice %arg10[%dma_start3A_1394, %dma_start3A_1395, %dma_start3A_1396] : memref<2x200x128xf32, #tpu.memory_space<vmem>> -> memref<1x128x128xf32, #tpu.memory_space<vmem>>
        %dma_start3A_1398 = tpu.memref_squeeze %dma_start3A_1397 : memref<1x128x128xf32, #tpu.memory_space<vmem>> -> memref<128x128xf32, #tpu.memory_space<vmem>>
        %dma_start3A_1399 = arith.constant 0 : i32
        %dma_start3A_1400 = tpu.memref_slice %arg8[%select_n3A_1393, %dma_start3A_1399] : memref<32x200xi32, #tpu.memory_space<vmem>> -> memref<1x128xi32, #tpu.memory_space<vmem>>
        %dma_start3A_1401 = tpu.memref_squeeze %dma_start3A_1400 : memref<1x128xi32, #tpu.memory_space<vmem>> -> memref<128xi32, #tpu.memory_space<vmem>>
        %dma_start3A_1402 = arith.constant 0 : i32
        %dma_start3A_1403 = arith.constant 0 : i32
        %dma_start3A_1404 = tpu.memref_slice %arg4[%dma_start3A_1402, %dma_start3A_1403] : memref<100000x128xf32, #tpu.memory_space<hbm>> -> memref<100000x128xf32, #tpu.memory_space<hbm>>
        tpu.enqueue_indirect_dma source(%dma_start3A_1404 : memref<100000x128xf32, #tpu.memory_space<hbm>>) target(%dma_start3A_1398 : memref<128x128xf32, #tpu.memory_space<vmem>>) offsets(%dma_start3A_1401 : memref<128xi32, #tpu.memory_space<vmem>>) semaphore(%arg16 : memref<!tpu.dma_semaphore, #tpu.memory_space<semaphore_mem>>)
      } else {
      }
      %add3A_661 = arith.constant 3 : i32
      %add3A_662 = arith.addi %mul3A_136, %add3A_661 : i32
      %jit3A_663 = arith.constant 2 : i32
      %div3A_664 = arith.divsi %add3A_662, %jit3A_663 : i32
      %sign3A_665 = arith.constant 0 : i32
      %sign3A_666 = arith.cmpi sgt, %add3A_662, %sign3A_665 : i32
      %sign3A_667 = arith.extui %sign3A_666 : i1 to i32
      %sign3A_668 = arith.constant 0 : i32
      %sign3A_669 = arith.cmpi slt, %add3A_662, %sign3A_668 : i32
      %sign3A_670 = arith.extui %sign3A_669 : i1 to i32
      %sign3A_671 = arith.subi %sign3A_667, %sign3A_670 : i32
      %sign3A_672 = arith.constant 0 : i32
      %sign3A_673 = arith.cmpi sgt, %jit3A_663, %sign3A_672 : i32
      %sign3A_674 = arith.extui %sign3A_673 : i1 to i32
      %sign3A_675 = arith.constant 0 : i32
      %sign3A_676 = arith.cmpi slt, %jit3A_663, %sign3A_675 : i32
      %sign3A_677 = arith.extui %sign3A_676 : i1 to i32
      %sign3A_678 = arith.subi %sign3A_674, %sign3A_677 : i32
      %ne3A_679 = arith.cmpi ne, %sign3A_671, %sign3A_678 : i32
      %rem3A_680 = arith.remsi %add3A_662, %jit3A_663 : i32
      %ne3A_681 = arith.constant 0 : i32
      %ne3A_682 = arith.cmpi ne, %rem3A_680, %ne3A_681 : i32
      %and3A_683 = arith.andi %ne3A_679, %ne3A_682 : i1
      %sub3A_684 = arith.constant 1 : i32
      %sub3A_685 = arith.subi %div3A_664, %sub3A_684 : i32
      %select_n3A_686 = arith.select %and3A_683, %sub3A_685, %div3A_664 : i32
      %add3A_687 = arith.addi %mul3A_2, %select_n3A_686 : i32
      %dma_wait3A_688 = arith.constant 1 : i32
      %dma_wait3A_689 = arith.constant 128 : i32
      %dma_wait3A_690 = arith.constant 0 : i32
      %dma_wait3A_691 = tpu.memref_slice %arg10[%dma_wait3A_688, %dma_wait3A_689, %dma_wait3A_690] : memref<2x200x128xf32, #tpu.memory_space<vmem>> -> memref<1x72x128xf32, #tpu.memory_space<vmem>>
      %dma_wait3A_692 = tpu.memref_squeeze %dma_wait3A_691 : memref<1x72x128xf32, #tpu.memory_space<vmem>> -> memref<72x128xf32, #tpu.memory_space<vmem>>
      %dma_wait3A_693 = arith.constant 128 : i32
      %dma_wait3A_694 = arith.constant 0 : i32
      %dma_wait3A_695 = tpu.memref_slice %arg6[%add3A_687, %dma_wait3A_693, %dma_wait3A_694] : memref<1024x200x128xf32, #tpu.memory_space<hbm>> -> memref<1x72x128xf32, #tpu.memory_space<hbm>>
      %dma_wait3A_696 = tpu.memref_squeeze %dma_wait3A_695 : memref<1x72x128xf32, #tpu.memory_space<hbm>> -> memref<72x128xf32, #tpu.memory_space<hbm>>
      %dma_wait3A_697 = arith.constant 128 : i32
      %dma_wait3A_698 = arith.constant 0 : i32
      %dma_wait3A_699 = tpu.memref_slice %arg6[%add3A_687, %dma_wait3A_697, %dma_wait3A_698] : memref<1024x200x128xf32, #tpu.memory_space<hbm>> -> memref<1x72x128xf32, #tpu.memory_space<hbm>>
      %dma_wait3A_700 = tpu.memref_squeeze %dma_wait3A_699 : memref<1x72x128xf32, #tpu.memory_space<hbm>> -> memref<72x128xf32, #tpu.memory_space<hbm>>
      %dma_wait3A_701 = arith.constant 128 : i32
      %dma_wait3A_702 = arith.constant 0 : i32
      %dma_wait3A_703 = tpu.memref_slice %arg10[%dma_wait3A_688, %dma_wait3A_701, %dma_wait3A_702] : memref<2x200x128xf32, #tpu.memory_space<vmem>> -> memref<1x72x128xf32, #tpu.memory_space<vmem>>
      %dma_wait3A_704 = tpu.memref_squeeze %dma_wait3A_703 : memref<1x72x128xf32, #tpu.memory_space<vmem>> -> memref<72x128xf32, #tpu.memory_space<vmem>>
      tpu.wait_dma2 semaphore(%arg21 : memref<!tpu.dma_semaphore, #tpu.memory_space<semaphore_mem>>) src(%dma_wait3A_704 : memref<72x128xf32, #tpu.memory_space<vmem>>) dst(%dma_wait3A_700 : memref<72x128xf32, #tpu.memory_space<hbm>>)
      %add3A_705 = arith.constant 3 : i32
      %add3A_706 = arith.addi %mul3A_136, %add3A_705 : i32
      %add3A_707 = arith.constant 4 : i32
      %add3A_708 = arith.addi %add3A_706, %add3A_707 : i32
      %lt3A_709 = arith.constant 64 : i32
      %lt3A_710 = arith.cmpi slt, %add3A_708, %lt3A_709 : i32
      %convert_element_type3A_711 = arith.extui %lt3A_710 : i1 to i32
      %cond3A_712 = arith.constant 0 : i32
      %cond3A_713 = arith.cmpi ne, %convert_element_type3A_711, %cond3A_712 : i32
      scf.if %cond3A_713 {
        %add3A_1366 = arith.constant 3 : i32
        %add3A_1367 = arith.addi %mul3A_136, %add3A_1366 : i32
        %add3A_1368 = arith.constant 4 : i32
        %add3A_1369 = arith.addi %add3A_1367, %add3A_1368 : i32
        %jit3A_1370 = arith.constant 2 : i32
        %div3A_1371 = arith.divsi %add3A_1369, %jit3A_1370 : i32
        %sign3A_1372 = arith.constant 0 : i32
        %sign3A_1373 = arith.cmpi sgt, %add3A_1369, %sign3A_1372 : i32
        %sign3A_1374 = arith.extui %sign3A_1373 : i1 to i32
        %sign3A_1375 = arith.constant 0 : i32
        %sign3A_1376 = arith.cmpi slt, %add3A_1369, %sign3A_1375 : i32
        %sign3A_1377 = arith.extui %sign3A_1376 : i1 to i32
        %sign3A_1378 = arith.subi %sign3A_1374, %sign3A_1377 : i32
        %sign3A_1379 = arith.constant 0 : i32
        %sign3A_1380 = arith.cmpi sgt, %jit3A_1370, %sign3A_1379 : i32
        %sign3A_1381 = arith.extui %sign3A_1380 : i1 to i32
        %sign3A_1382 = arith.constant 0 : i32
        %sign3A_1383 = arith.cmpi slt, %jit3A_1370, %sign3A_1382 : i32
        %sign3A_1384 = arith.extui %sign3A_1383 : i1 to i32
        %sign3A_1385 = arith.subi %sign3A_1381, %sign3A_1384 : i32
        %ne3A_1386 = arith.cmpi ne, %sign3A_1378, %sign3A_1385 : i32
        %rem3A_1387 = arith.remsi %add3A_1369, %jit3A_1370 : i32
        %ne3A_1388 = arith.constant 0 : i32
        %ne3A_1389 = arith.cmpi ne, %rem3A_1387, %ne3A_1388 : i32
        %and3A_1390 = arith.andi %ne3A_1386, %ne3A_1389 : i1
        %sub3A_1391 = arith.constant 1 : i32
        %sub3A_1392 = arith.subi %div3A_1371, %sub3A_1391 : i32
        %select_n3A_1393 = arith.select %and3A_1390, %sub3A_1392, %div3A_1371 : i32
        %dma_start3A_1394 = arith.constant 1 : i32
        %dma_start3A_1395 = arith.constant 128 : i32
        %dma_start3A_1396 = arith.constant 0 : i32
        %dma_start3A_1397 = tpu.memref_slice %arg10[%dma_start3A_1394, %dma_start3A_1395, %dma_start3A_1396] : memref<2x200x128xf32, #tpu.memory_space<vmem>> -> memref<1x72x128xf32, #tpu.memory_space<vmem>>
        %dma_start3A_1398 = tpu.memref_squeeze %dma_start3A_1397 : memref<1x72x128xf32, #tpu.memory_space<vmem>> -> memref<72x128xf32, #tpu.memory_space<vmem>>
        %dma_start3A_1399 = arith.constant 128 : i32
        %dma_start3A_1400 = tpu.memref_slice %arg8[%select_n3A_1393, %dma_start3A_1399] : memref<32x200xi32, #tpu.memory_space<vmem>> -> memref<1x72xi32, #tpu.memory_space<vmem>>
        %dma_start3A_1401 = tpu.memref_squeeze %dma_start3A_1400 : memref<1x72xi32, #tpu.memory_space<vmem>> -> memref<72xi32, #tpu.memory_space<vmem>>
        %dma_start3A_1402 = arith.constant 0 : i32
        %dma_start3A_1403 = arith.constant 0 : i32
        %dma_start3A_1404 = tpu.memref_slice %arg4[%dma_start3A_1402, %dma_start3A_1403] : memref<100000x128xf32, #tpu.memory_space<hbm>> -> memref<100000x128xf32, #tpu.memory_space<hbm>>
        tpu.enqueue_indirect_dma source(%dma_start3A_1404 : memref<100000x128xf32, #tpu.memory_space<hbm>>) target(%dma_start3A_1398 : memref<72x128xf32, #tpu.memory_space<vmem>>) offsets(%dma_start3A_1401 : memref<72xi32, #tpu.memory_space<vmem>>) semaphore(%arg17 : memref<!tpu.dma_semaphore, #tpu.memory_space<semaphore_mem>>)
      } else {
      }
      %mul3A_714 = arith.constant 2 : i32
      %mul3A_715 = arith.muli %add3A_130, %mul3A_714 : i32
      %add3A_716 = arith.addi %mul3A_2, %mul3A_715 : i32
      %dma_wait3A_717 = arith.constant 0 : i32
      %dma_wait3A_718 = arith.constant 0 : i32
      %dma_wait3A_719 = arith.constant 0 : i32
      %dma_wait3A_720 = arith.constant 0 : i32
      %dma_wait3A_721 = tpu.memref_slice %arg11[%dma_wait3A_717, %dma_wait3A_718, %dma_wait3A_719, %dma_wait3A_720] : memref<2x2x50x128xf32, #tpu.memory_space<vmem>> -> memref<1x2x50x128xf32, #tpu.memory_space<vmem>>
      %dma_wait3A_722 = tpu.memref_squeeze %dma_wait3A_721 : memref<1x2x50x128xf32, #tpu.memory_space<vmem>> -> memref<2x50x128xf32, #tpu.memory_space<vmem>>
      %dma_wait3A_723 = arith.constant 0 : i32
      %dma_wait3A_724 = arith.constant 0 : i32
      %dma_wait3A_725 = tpu.memref_slice %arg7[%add3A_716, %dma_wait3A_723, %dma_wait3A_724] : memref<1024x50x128xf32, #tpu.memory_space<hbm>> -> memref<2x50x128xf32, #tpu.memory_space<hbm>>
      %dma_wait3A_726 = arith.constant 0 : i32
      %dma_wait3A_727 = arith.constant 0 : i32
      %dma_wait3A_728 = tpu.memref_slice %arg7[%add3A_716, %dma_wait3A_726, %dma_wait3A_727] : memref<1024x50x128xf32, #tpu.memory_space<hbm>> -> memref<2x50x128xf32, #tpu.memory_space<hbm>>
      %dma_wait3A_729 = arith.constant 0 : i32
      %dma_wait3A_730 = arith.constant 0 : i32
      %dma_wait3A_731 = arith.constant 0 : i32
      %dma_wait3A_732 = tpu.memref_slice %arg11[%dma_wait3A_717, %dma_wait3A_729, %dma_wait3A_730, %dma_wait3A_731] : memref<2x2x50x128xf32, #tpu.memory_space<vmem>> -> memref<1x2x50x128xf32, #tpu.memory_space<vmem>>
      %dma_wait3A_733 = tpu.memref_squeeze %dma_wait3A_732 : memref<1x2x50x128xf32, #tpu.memory_space<vmem>> -> memref<2x50x128xf32, #tpu.memory_space<vmem>>
      tpu.wait_dma2 semaphore(%arg24 : memref<!tpu.dma_semaphore, #tpu.memory_space<semaphore_mem>>) src(%dma_wait3A_733 : memref<2x50x128xf32, #tpu.memory_space<vmem>>) dst(%dma_wait3A_728 : memref<2x50x128xf32, #tpu.memory_space<hbm>>)
      %add3A_734 = arith.constant 2 : i32
      %add3A_735 = arith.addi %add3A_130, %add3A_734 : i32
      %lt3A_736 = arith.constant 16 : i32
      %lt3A_737 = arith.cmpi slt, %add3A_735, %lt3A_736 : i32
      %convert_element_type3A_738 = arith.extui %lt3A_737 : i1 to i32
      %cond3A_739 = arith.constant 0 : i32
      %cond3A_740 = arith.cmpi ne, %convert_element_type3A_738, %cond3A_739 : i32
      scf.if %cond3A_740 {
        %add3A_1366 = arith.constant 2 : i32
        %add3A_1367 = arith.addi %add3A_130, %add3A_1366 : i32
        %mul3A_1368 = arith.constant 2 : i32
        %mul3A_1369 = arith.muli %add3A_1367, %mul3A_1368 : i32
        %add3A_1370 = arith.constant 0 : i32
        %add3A_1371 = arith.addi %mul3A_1369, %add3A_1370 : i32
        %mul3A_1372 = arith.constant 2 : i32
        %mul3A_1373 = arith.muli %add3A_1367, %mul3A_1372 : i32
        %add3A_1374 = arith.constant 1 : i32
        %add3A_1375 = arith.addi %mul3A_1373, %add3A_1374 : i32
        %dma_start3A_1376 = arith.constant 0 : i32
        %dma_start3A_1377 = arith.constant 0 : i32
        %dma_start3A_1378 = arith.constant 0 : i32
        %dma_start3A_1379 = arith.constant 0 : i32
        %dma_start3A_1380 = tpu.memref_slice %arg11[%dma_start3A_1376, %dma_start3A_1377, %dma_start3A_1378, %dma_start3A_1379] : memref<2x2x50x128xf32, #tpu.memory_space<vmem>> -> memref<1x1x50x128xf32, #tpu.memory_space<vmem>>
        %dma_start3A_1381 = tpu.memref_squeeze %dma_start3A_1380 : memref<1x1x50x128xf32, #tpu.memory_space<vmem>> -> memref<50x128xf32, #tpu.memory_space<vmem>>
        %dma_start3A_1382 = arith.constant 0 : i32
        %dma_start3A_1383 = tpu.memref_slice %arg9[%add3A_1371, %dma_start3A_1382] : memref<32x50xi32, #tpu.memory_space<vmem>> -> memref<1x50xi32, #tpu.memory_space<vmem>>
        %dma_start3A_1384 = tpu.memref_squeeze %dma_start3A_1383 : memref<1x50xi32, #tpu.memory_space<vmem>> -> memref<50xi32, #tpu.memory_space<vmem>>
        %dma_start3A_1385 = arith.constant 0 : i32
        %dma_start3A_1386 = arith.constant 0 : i32
        %dma_start3A_1387 = tpu.memref_slice %arg5[%dma_start3A_1385, %dma_start3A_1386] : memref<100000x128xf32, #tpu.memory_space<hbm>> -> memref<100000x128xf32, #tpu.memory_space<hbm>>
        tpu.enqueue_indirect_dma source(%dma_start3A_1387 : memref<100000x128xf32, #tpu.memory_space<hbm>>) target(%dma_start3A_1381 : memref<50x128xf32, #tpu.memory_space<vmem>>) offsets(%dma_start3A_1384 : memref<50xi32, #tpu.memory_space<vmem>>) semaphore(%arg22 : memref<!tpu.dma_semaphore, #tpu.memory_space<semaphore_mem>>)
        %dma_start3A_1388 = arith.constant 0 : i32
        %dma_start3A_1389 = arith.constant 1 : i32
        %dma_start3A_1390 = arith.constant 0 : i32
        %dma_start3A_1391 = arith.constant 0 : i32
        %dma_start3A_1392 = tpu.memref_slice %arg11[%dma_start3A_1388, %dma_start3A_1389, %dma_start3A_1390, %dma_start3A_1391] : memref<2x2x50x128xf32, #tpu.memory_space<vmem>> -> memref<1x1x50x128xf32, #tpu.memory_space<vmem>>
        %dma_start3A_1393 = tpu.memref_squeeze %dma_start3A_1392 : memref<1x1x50x128xf32, #tpu.memory_space<vmem>> -> memref<50x128xf32, #tpu.memory_space<vmem>>
        %dma_start3A_1394 = arith.constant 0 : i32
        %dma_start3A_1395 = tpu.memref_slice %arg9[%add3A_1375, %dma_start3A_1394] : memref<32x50xi32, #tpu.memory_space<vmem>> -> memref<1x50xi32, #tpu.memory_space<vmem>>
        %dma_start3A_1396 = tpu.memref_squeeze %dma_start3A_1395 : memref<1x50xi32, #tpu.memory_space<vmem>> -> memref<50xi32, #tpu.memory_space<vmem>>
        %dma_start3A_1397 = arith.constant 0 : i32
        %dma_start3A_1398 = arith.constant 0 : i32
        %dma_start3A_1399 = tpu.memref_slice %arg5[%dma_start3A_1397, %dma_start3A_1398] : memref<100000x128xf32, #tpu.memory_space<hbm>> -> memref<100000x128xf32, #tpu.memory_space<hbm>>
        tpu.enqueue_indirect_dma source(%dma_start3A_1399 : memref<100000x128xf32, #tpu.memory_space<hbm>>) target(%dma_start3A_1393 : memref<50x128xf32, #tpu.memory_space<vmem>>) offsets(%dma_start3A_1396 : memref<50xi32, #tpu.memory_space<vmem>>) semaphore(%arg22 : memref<!tpu.dma_semaphore, #tpu.memory_space<semaphore_mem>>)
      } else {
      }
      %mul3A_741 = arith.constant 2 : i32
      %mul3A_742 = arith.muli %mul3A_741, %scan3A_126 : i32
      %add3A_743 = arith.constant 1 : i32
      %add3A_744 = arith.addi %mul3A_742, %add3A_743 : i32
      %mul3A_745 = arith.constant 1 : i32
      %mul3A_746 = arith.muli %add3A_744, %mul3A_745 : i32
      %add3A_747 = arith.constant 0 : i32
      %add3A_748 = arith.addi %mul3A_746, %add3A_747 : i32
      %mul3A_749 = arith.constant 4 : i32
      %mul3A_750 = arith.muli %add3A_748, %mul3A_749 : i32
      %add3A_751 = arith.constant 0 : i32
      %add3A_752 = arith.addi %mul3A_750, %add3A_751 : i32
      %jit3A_753 = arith.constant 2 : i32
      %div3A_754 = arith.divsi %add3A_752, %jit3A_753 : i32
      %sign3A_755 = arith.constant 0 : i32
      %sign3A_756 = arith.cmpi sgt, %add3A_752, %sign3A_755 : i32
      %sign3A_757 = arith.extui %sign3A_756 : i1 to i32
      %sign3A_758 = arith.constant 0 : i32
      %sign3A_759 = arith.cmpi slt, %add3A_752, %sign3A_758 : i32
      %sign3A_760 = arith.extui %sign3A_759 : i1 to i32
      %sign3A_761 = arith.subi %sign3A_757, %sign3A_760 : i32
      %sign3A_762 = arith.constant 0 : i32
      %sign3A_763 = arith.cmpi sgt, %jit3A_753, %sign3A_762 : i32
      %sign3A_764 = arith.extui %sign3A_763 : i1 to i32
      %sign3A_765 = arith.constant 0 : i32
      %sign3A_766 = arith.cmpi slt, %jit3A_753, %sign3A_765 : i32
      %sign3A_767 = arith.extui %sign3A_766 : i1 to i32
      %sign3A_768 = arith.subi %sign3A_764, %sign3A_767 : i32
      %ne3A_769 = arith.cmpi ne, %sign3A_761, %sign3A_768 : i32
      %rem3A_770 = arith.remsi %add3A_752, %jit3A_753 : i32
      %ne3A_771 = arith.constant 0 : i32
      %ne3A_772 = arith.cmpi ne, %rem3A_770, %ne3A_771 : i32
      %and3A_773 = arith.andi %ne3A_769, %ne3A_772 : i1
      %sub3A_774 = arith.constant 1 : i32
      %sub3A_775 = arith.subi %div3A_754, %sub3A_774 : i32
      %select_n3A_776 = arith.select %and3A_773, %sub3A_775, %div3A_754 : i32
      %dma_wait3A_777 = arith.constant 0 : i32
      %dma_wait3A_778 = arith.constant 0 : i32
      %dma_wait3A_779 = arith.constant 0 : i32
      %dma_wait3A_780 = tpu.memref_slice %arg10[%dma_wait3A_777, %dma_wait3A_778, %dma_wait3A_779] : memref<2x200x128xf32, #tpu.memory_space<vmem>> -> memref<1x128x128xf32, #tpu.memory_space<vmem>>
      %dma_wait3A_781 = tpu.memref_squeeze %dma_wait3A_780 : memref<1x128x128xf32, #tpu.memory_space<vmem>> -> memref<128x128xf32, #tpu.memory_space<vmem>>
      %dma_wait3A_782 = arith.constant 0 : i32
      %dma_wait3A_783 = tpu.memref_slice %arg8[%select_n3A_776, %dma_wait3A_782] : memref<32x200xi32, #tpu.memory_space<vmem>> -> memref<1x128xi32, #tpu.memory_space<vmem>>
      %dma_wait3A_784 = tpu.memref_squeeze %dma_wait3A_783 : memref<1x128xi32, #tpu.memory_space<vmem>> -> memref<128xi32, #tpu.memory_space<vmem>>
      %dma_wait3A_785 = arith.constant 0 : i32
      %dma_wait3A_786 = arith.constant 0 : i32
      %dma_wait3A_787 = tpu.memref_slice %arg4[%dma_wait3A_785, %dma_wait3A_786] : memref<100000x128xf32, #tpu.memory_space<hbm>> -> memref<100000x128xf32, #tpu.memory_space<hbm>>
      tpu.wait_indirect_dma semaphore(%arg14 : memref<!tpu.dma_semaphore, #tpu.memory_space<semaphore_mem>>) src(%dma_wait3A_787 : memref<100000x128xf32, #tpu.memory_space<hbm>>) dst(%dma_wait3A_781 : memref<128x128xf32, #tpu.memory_space<vmem>>)
      %add3A_788 = arith.constant 0 : i32
      %add3A_789 = arith.addi %mul3A_750, %add3A_788 : i32
      %jit3A_790 = arith.constant 2 : i32
      %div3A_791 = arith.divsi %add3A_789, %jit3A_790 : i32
      %sign3A_792 = arith.constant 0 : i32
      %sign3A_793 = arith.cmpi sgt, %add3A_789, %sign3A_792 : i32
      %sign3A_794 = arith.extui %sign3A_793 : i1 to i32
      %sign3A_795 = arith.constant 0 : i32
      %sign3A_796 = arith.cmpi slt, %add3A_789, %sign3A_795 : i32
      %sign3A_797 = arith.extui %sign3A_796 : i1 to i32
      %sign3A_798 = arith.subi %sign3A_794, %sign3A_797 : i32
      %sign3A_799 = arith.constant 0 : i32
      %sign3A_800 = arith.cmpi sgt, %jit3A_790, %sign3A_799 : i32
      %sign3A_801 = arith.extui %sign3A_800 : i1 to i32
      %sign3A_802 = arith.constant 0 : i32
      %sign3A_803 = arith.cmpi slt, %jit3A_790, %sign3A_802 : i32
      %sign3A_804 = arith.extui %sign3A_803 : i1 to i32
      %sign3A_805 = arith.subi %sign3A_801, %sign3A_804 : i32
      %ne3A_806 = arith.cmpi ne, %sign3A_798, %sign3A_805 : i32
      %rem3A_807 = arith.remsi %add3A_789, %jit3A_790 : i32
      %ne3A_808 = arith.constant 0 : i32
      %ne3A_809 = arith.cmpi ne, %rem3A_807, %ne3A_808 : i32
      %and3A_810 = arith.andi %ne3A_806, %ne3A_809 : i1
      %sub3A_811 = arith.constant 1 : i32
      %sub3A_812 = arith.subi %div3A_791, %sub3A_811 : i32
      %select_n3A_813 = arith.select %and3A_810, %sub3A_812, %div3A_791 : i32
      %add3A_814 = arith.addi %mul3A_2, %select_n3A_813 : i32
      %dma_start3A_815 = arith.constant 0 : i32
      %dma_start3A_816 = arith.constant 0 : i32
      %dma_start3A_817 = arith.constant 0 : i32
      %dma_start3A_818 = tpu.memref_slice %arg10[%dma_start3A_815, %dma_start3A_816, %dma_start3A_817] : memref<2x200x128xf32, #tpu.memory_space<vmem>> -> memref<1x128x128xf32, #tpu.memory_space<vmem>>
      %dma_start3A_819 = tpu.memref_squeeze %dma_start3A_818 : memref<1x128x128xf32, #tpu.memory_space<vmem>> -> memref<128x128xf32, #tpu.memory_space<vmem>>
      %dma_start3A_820 = arith.constant 0 : i32
      %dma_start3A_821 = arith.constant 0 : i32
      %dma_start3A_822 = tpu.memref_slice %arg6[%add3A_814, %dma_start3A_820, %dma_start3A_821] : memref<1024x200x128xf32, #tpu.memory_space<hbm>> -> memref<1x128x128xf32, #tpu.memory_space<hbm>>
      %dma_start3A_823 = tpu.memref_squeeze %dma_start3A_822 : memref<1x128x128xf32, #tpu.memory_space<hbm>> -> memref<128x128xf32, #tpu.memory_space<hbm>>
      %dma_start3A_824 = arith.constant 0 : i32
      %dma_start3A_825 = arith.constant 0 : i32
      %dma_start3A_826 = tpu.memref_slice %arg6[%add3A_814, %dma_start3A_824, %dma_start3A_825] : memref<1024x200x128xf32, #tpu.memory_space<hbm>> -> memref<1x128x128xf32, #tpu.memory_space<hbm>>
      %dma_start3A_827 = tpu.memref_squeeze %dma_start3A_826 : memref<1x128x128xf32, #tpu.memory_space<hbm>> -> memref<128x128xf32, #tpu.memory_space<hbm>>
      %dma_start3A_828 = arith.constant 0 : i32
      %dma_start3A_829 = arith.constant 0 : i32
      %dma_start3A_830 = tpu.memref_slice %arg10[%dma_start3A_815, %dma_start3A_828, %dma_start3A_829] : memref<2x200x128xf32, #tpu.memory_space<vmem>> -> memref<1x128x128xf32, #tpu.memory_space<vmem>>
      %dma_start3A_831 = tpu.memref_squeeze %dma_start3A_830 : memref<1x128x128xf32, #tpu.memory_space<vmem>> -> memref<128x128xf32, #tpu.memory_space<vmem>>
      tpu.enqueue_dma source(%dma_start3A_831 : memref<128x128xf32, #tpu.memory_space<vmem>>) target(%dma_start3A_827 : memref<128x128xf32, #tpu.memory_space<hbm>>) target_semaphore(%arg18 : memref<!tpu.dma_semaphore, #tpu.memory_space<semaphore_mem>>)
      %add3A_832 = arith.constant 1 : i32
      %add3A_833 = arith.addi %mul3A_750, %add3A_832 : i32
      %jit3A_834 = arith.constant 2 : i32
      %div3A_835 = arith.divsi %add3A_833, %jit3A_834 : i32
      %sign3A_836 = arith.constant 0 : i32
      %sign3A_837 = arith.cmpi sgt, %add3A_833, %sign3A_836 : i32
      %sign3A_838 = arith.extui %sign3A_837 : i1 to i32
      %sign3A_839 = arith.constant 0 : i32
      %sign3A_840 = arith.cmpi slt, %add3A_833, %sign3A_839 : i32
      %sign3A_841 = arith.extui %sign3A_840 : i1 to i32
      %sign3A_842 = arith.subi %sign3A_838, %sign3A_841 : i32
      %sign3A_843 = arith.constant 0 : i32
      %sign3A_844 = arith.cmpi sgt, %jit3A_834, %sign3A_843 : i32
      %sign3A_845 = arith.extui %sign3A_844 : i1 to i32
      %sign3A_846 = arith.constant 0 : i32
      %sign3A_847 = arith.cmpi slt, %jit3A_834, %sign3A_846 : i32
      %sign3A_848 = arith.extui %sign3A_847 : i1 to i32
      %sign3A_849 = arith.subi %sign3A_845, %sign3A_848 : i32
      %ne3A_850 = arith.cmpi ne, %sign3A_842, %sign3A_849 : i32
      %rem3A_851 = arith.remsi %add3A_833, %jit3A_834 : i32
      %ne3A_852 = arith.constant 0 : i32
      %ne3A_853 = arith.cmpi ne, %rem3A_851, %ne3A_852 : i32
      %and3A_854 = arith.andi %ne3A_850, %ne3A_853 : i1
      %sub3A_855 = arith.constant 1 : i32
      %sub3A_856 = arith.subi %div3A_835, %sub3A_855 : i32
      %select_n3A_857 = arith.select %and3A_854, %sub3A_856, %div3A_835 : i32
      %dma_wait3A_858 = arith.constant 0 : i32
      %dma_wait3A_859 = arith.constant 128 : i32
      %dma_wait3A_860 = arith.constant 0 : i32
      %dma_wait3A_861 = tpu.memref_slice %arg10[%dma_wait3A_858, %dma_wait3A_859, %dma_wait3A_860] : memref<2x200x128xf32, #tpu.memory_space<vmem>> -> memref<1x72x128xf32, #tpu.memory_space<vmem>>
      %dma_wait3A_862 = tpu.memref_squeeze %dma_wait3A_861 : memref<1x72x128xf32, #tpu.memory_space<vmem>> -> memref<72x128xf32, #tpu.memory_space<vmem>>
      %dma_wait3A_863 = arith.constant 128 : i32
      %dma_wait3A_864 = tpu.memref_slice %arg8[%select_n3A_857, %dma_wait3A_863] : memref<32x200xi32, #tpu.memory_space<vmem>> -> memref<1x72xi32, #tpu.memory_space<vmem>>
      %dma_wait3A_865 = tpu.memref_squeeze %dma_wait3A_864 : memref<1x72xi32, #tpu.memory_space<vmem>> -> memref<72xi32, #tpu.memory_space<vmem>>
      %dma_wait3A_866 = arith.constant 0 : i32
      %dma_wait3A_867 = arith.constant 0 : i32
      %dma_wait3A_868 = tpu.memref_slice %arg4[%dma_wait3A_866, %dma_wait3A_867] : memref<100000x128xf32, #tpu.memory_space<hbm>> -> memref<100000x128xf32, #tpu.memory_space<hbm>>
      tpu.wait_indirect_dma semaphore(%arg15 : memref<!tpu.dma_semaphore, #tpu.memory_space<semaphore_mem>>) src(%dma_wait3A_868 : memref<100000x128xf32, #tpu.memory_space<hbm>>) dst(%dma_wait3A_862 : memref<72x128xf32, #tpu.memory_space<vmem>>)
      %add3A_869 = arith.constant 1 : i32
      %add3A_870 = arith.addi %mul3A_750, %add3A_869 : i32
      %jit3A_871 = arith.constant 2 : i32
      %div3A_872 = arith.divsi %add3A_870, %jit3A_871 : i32
      %sign3A_873 = arith.constant 0 : i32
      %sign3A_874 = arith.cmpi sgt, %add3A_870, %sign3A_873 : i32
      %sign3A_875 = arith.extui %sign3A_874 : i1 to i32
      %sign3A_876 = arith.constant 0 : i32
      %sign3A_877 = arith.cmpi slt, %add3A_870, %sign3A_876 : i32
      %sign3A_878 = arith.extui %sign3A_877 : i1 to i32
      %sign3A_879 = arith.subi %sign3A_875, %sign3A_878 : i32
      %sign3A_880 = arith.constant 0 : i32
      %sign3A_881 = arith.cmpi sgt, %jit3A_871, %sign3A_880 : i32
      %sign3A_882 = arith.extui %sign3A_881 : i1 to i32
      %sign3A_883 = arith.constant 0 : i32
      %sign3A_884 = arith.cmpi slt, %jit3A_871, %sign3A_883 : i32
      %sign3A_885 = arith.extui %sign3A_884 : i1 to i32
      %sign3A_886 = arith.subi %sign3A_882, %sign3A_885 : i32
      %ne3A_887 = arith.cmpi ne, %sign3A_879, %sign3A_886 : i32
      %rem3A_888 = arith.remsi %add3A_870, %jit3A_871 : i32
      %ne3A_889 = arith.constant 0 : i32
      %ne3A_890 = arith.cmpi ne, %rem3A_888, %ne3A_889 : i32
      %and3A_891 = arith.andi %ne3A_887, %ne3A_890 : i1
      %sub3A_892 = arith.constant 1 : i32
      %sub3A_893 = arith.subi %div3A_872, %sub3A_892 : i32
      %select_n3A_894 = arith.select %and3A_891, %sub3A_893, %div3A_872 : i32
      %add3A_895 = arith.addi %mul3A_2, %select_n3A_894 : i32
      %dma_start3A_896 = arith.constant 0 : i32
      %dma_start3A_897 = arith.constant 128 : i32
      %dma_start3A_898 = arith.constant 0 : i32
      %dma_start3A_899 = tpu.memref_slice %arg10[%dma_start3A_896, %dma_start3A_897, %dma_start3A_898] : memref<2x200x128xf32, #tpu.memory_space<vmem>> -> memref<1x72x128xf32, #tpu.memory_space<vmem>>
      %dma_start3A_900 = tpu.memref_squeeze %dma_start3A_899 : memref<1x72x128xf32, #tpu.memory_space<vmem>> -> memref<72x128xf32, #tpu.memory_space<vmem>>
      %dma_start3A_901 = arith.constant 128 : i32
      %dma_start3A_902 = arith.constant 0 : i32
      %dma_start3A_903 = tpu.memref_slice %arg6[%add3A_895, %dma_start3A_901, %dma_start3A_902] : memref<1024x200x128xf32, #tpu.memory_space<hbm>> -> memref<1x72x128xf32, #tpu.memory_space<hbm>>
      %dma_start3A_904 = tpu.memref_squeeze %dma_start3A_903 : memref<1x72x128xf32, #tpu.memory_space<hbm>> -> memref<72x128xf32, #tpu.memory_space<hbm>>
      %dma_start3A_905 = arith.constant 128 : i32
      %dma_start3A_906 = arith.constant 0 : i32
      %dma_start3A_907 = tpu.memref_slice %arg6[%add3A_895, %dma_start3A_905, %dma_start3A_906] : memref<1024x200x128xf32, #tpu.memory_space<hbm>> -> memref<1x72x128xf32, #tpu.memory_space<hbm>>
      %dma_start3A_908 = tpu.memref_squeeze %dma_start3A_907 : memref<1x72x128xf32, #tpu.memory_space<hbm>> -> memref<72x128xf32, #tpu.memory_space<hbm>>
      %dma_start3A_909 = arith.constant 128 : i32
      %dma_start3A_910 = arith.constant 0 : i32
      %dma_start3A_911 = tpu.memref_slice %arg10[%dma_start3A_896, %dma_start3A_909, %dma_start3A_910] : memref<2x200x128xf32, #tpu.memory_space<vmem>> -> memref<1x72x128xf32, #tpu.memory_space<vmem>>
      %dma_start3A_912 = tpu.memref_squeeze %dma_start3A_911 : memref<1x72x128xf32, #tpu.memory_space<vmem>> -> memref<72x128xf32, #tpu.memory_space<vmem>>
      tpu.enqueue_dma source(%dma_start3A_912 : memref<72x128xf32, #tpu.memory_space<vmem>>) target(%dma_start3A_908 : memref<72x128xf32, #tpu.memory_space<hbm>>) target_semaphore(%arg19 : memref<!tpu.dma_semaphore, #tpu.memory_space<semaphore_mem>>)
      %add3A_913 = arith.constant 2 : i32
      %add3A_914 = arith.addi %mul3A_750, %add3A_913 : i32
      %jit3A_915 = arith.constant 2 : i32
      %div3A_916 = arith.divsi %add3A_914, %jit3A_915 : i32
      %sign3A_917 = arith.constant 0 : i32
      %sign3A_918 = arith.cmpi sgt, %add3A_914, %sign3A_917 : i32
      %sign3A_919 = arith.extui %sign3A_918 : i1 to i32
      %sign3A_920 = arith.constant 0 : i32
      %sign3A_921 = arith.cmpi slt, %add3A_914, %sign3A_920 : i32
      %sign3A_922 = arith.extui %sign3A_921 : i1 to i32
      %sign3A_923 = arith.subi %sign3A_919, %sign3A_922 : i32
      %sign3A_924 = arith.constant 0 : i32
      %sign3A_925 = arith.cmpi sgt, %jit3A_915, %sign3A_924 : i32
      %sign3A_926 = arith.extui %sign3A_925 : i1 to i32
      %sign3A_927 = arith.constant 0 : i32
      %sign3A_928 = arith.cmpi slt, %jit3A_915, %sign3A_927 : i32
      %sign3A_929 = arith.extui %sign3A_928 : i1 to i32
      %sign3A_930 = arith.subi %sign3A_926, %sign3A_929 : i32
      %ne3A_931 = arith.cmpi ne, %sign3A_923, %sign3A_930 : i32
      %rem3A_932 = arith.remsi %add3A_914, %jit3A_915 : i32
      %ne3A_933 = arith.constant 0 : i32
      %ne3A_934 = arith.cmpi ne, %rem3A_932, %ne3A_933 : i32
      %and3A_935 = arith.andi %ne3A_931, %ne3A_934 : i1
      %sub3A_936 = arith.constant 1 : i32
      %sub3A_937 = arith.subi %div3A_916, %sub3A_936 : i32
      %select_n3A_938 = arith.select %and3A_935, %sub3A_937, %div3A_916 : i32
      %dma_wait3A_939 = arith.constant 1 : i32
      %dma_wait3A_940 = arith.constant 0 : i32
      %dma_wait3A_941 = arith.constant 0 : i32
      %dma_wait3A_942 = tpu.memref_slice %arg10[%dma_wait3A_939, %dma_wait3A_940, %dma_wait3A_941] : memref<2x200x128xf32, #tpu.memory_space<vmem>> -> memref<1x128x128xf32, #tpu.memory_space<vmem>>
      %dma_wait3A_943 = tpu.memref_squeeze %dma_wait3A_942 : memref<1x128x128xf32, #tpu.memory_space<vmem>> -> memref<128x128xf32, #tpu.memory_space<vmem>>
      %dma_wait3A_944 = arith.constant 0 : i32
      %dma_wait3A_945 = tpu.memref_slice %arg8[%select_n3A_938, %dma_wait3A_944] : memref<32x200xi32, #tpu.memory_space<vmem>> -> memref<1x128xi32, #tpu.memory_space<vmem>>
      %dma_wait3A_946 = tpu.memref_squeeze %dma_wait3A_945 : memref<1x128xi32, #tpu.memory_space<vmem>> -> memref<128xi32, #tpu.memory_space<vmem>>
      %dma_wait3A_947 = arith.constant 0 : i32
      %dma_wait3A_948 = arith.constant 0 : i32
      %dma_wait3A_949 = tpu.memref_slice %arg4[%dma_wait3A_947, %dma_wait3A_948] : memref<100000x128xf32, #tpu.memory_space<hbm>> -> memref<100000x128xf32, #tpu.memory_space<hbm>>
      tpu.wait_indirect_dma semaphore(%arg16 : memref<!tpu.dma_semaphore, #tpu.memory_space<semaphore_mem>>) src(%dma_wait3A_949 : memref<100000x128xf32, #tpu.memory_space<hbm>>) dst(%dma_wait3A_943 : memref<128x128xf32, #tpu.memory_space<vmem>>)
      %add3A_950 = arith.constant 2 : i32
      %add3A_951 = arith.addi %mul3A_750, %add3A_950 : i32
      %jit3A_952 = arith.constant 2 : i32
      %div3A_953 = arith.divsi %add3A_951, %jit3A_952 : i32
      %sign3A_954 = arith.constant 0 : i32
      %sign3A_955 = arith.cmpi sgt, %add3A_951, %sign3A_954 : i32
      %sign3A_956 = arith.extui %sign3A_955 : i1 to i32
      %sign3A_957 = arith.constant 0 : i32
      %sign3A_958 = arith.cmpi slt, %add3A_951, %sign3A_957 : i32
      %sign3A_959 = arith.extui %sign3A_958 : i1 to i32
      %sign3A_960 = arith.subi %sign3A_956, %sign3A_959 : i32
      %sign3A_961 = arith.constant 0 : i32
      %sign3A_962 = arith.cmpi sgt, %jit3A_952, %sign3A_961 : i32
      %sign3A_963 = arith.extui %sign3A_962 : i1 to i32
      %sign3A_964 = arith.constant 0 : i32
      %sign3A_965 = arith.cmpi slt, %jit3A_952, %sign3A_964 : i32
      %sign3A_966 = arith.extui %sign3A_965 : i1 to i32
      %sign3A_967 = arith.subi %sign3A_963, %sign3A_966 : i32
      %ne3A_968 = arith.cmpi ne, %sign3A_960, %sign3A_967 : i32
      %rem3A_969 = arith.remsi %add3A_951, %jit3A_952 : i32
      %ne3A_970 = arith.constant 0 : i32
      %ne3A_971 = arith.cmpi ne, %rem3A_969, %ne3A_970 : i32
      %and3A_972 = arith.andi %ne3A_968, %ne3A_971 : i1
      %sub3A_973 = arith.constant 1 : i32
      %sub3A_974 = arith.subi %div3A_953, %sub3A_973 : i32
      %select_n3A_975 = arith.select %and3A_972, %sub3A_974, %div3A_953 : i32
      %add3A_976 = arith.addi %mul3A_2, %select_n3A_975 : i32
      %dma_start3A_977 = arith.constant 1 : i32
      %dma_start3A_978 = arith.constant 0 : i32
      %dma_start3A_979 = arith.constant 0 : i32
      %dma_start3A_980 = tpu.memref_slice %arg10[%dma_start3A_977, %dma_start3A_978, %dma_start3A_979] : memref<2x200x128xf32, #tpu.memory_space<vmem>> -> memref<1x128x128xf32, #tpu.memory_space<vmem>>
      %dma_start3A_981 = tpu.memref_squeeze %dma_start3A_980 : memref<1x128x128xf32, #tpu.memory_space<vmem>> -> memref<128x128xf32, #tpu.memory_space<vmem>>
      %dma_start3A_982 = arith.constant 0 : i32
      %dma_start3A_983 = arith.constant 0 : i32
      %dma_start3A_984 = tpu.memref_slice %arg6[%add3A_976, %dma_start3A_982, %dma_start3A_983] : memref<1024x200x128xf32, #tpu.memory_space<hbm>> -> memref<1x128x128xf32, #tpu.memory_space<hbm>>
      %dma_start3A_985 = tpu.memref_squeeze %dma_start3A_984 : memref<1x128x128xf32, #tpu.memory_space<hbm>> -> memref<128x128xf32, #tpu.memory_space<hbm>>
      %dma_start3A_986 = arith.constant 0 : i32
      %dma_start3A_987 = arith.constant 0 : i32
      %dma_start3A_988 = tpu.memref_slice %arg6[%add3A_976, %dma_start3A_986, %dma_start3A_987] : memref<1024x200x128xf32, #tpu.memory_space<hbm>> -> memref<1x128x128xf32, #tpu.memory_space<hbm>>
      %dma_start3A_989 = tpu.memref_squeeze %dma_start3A_988 : memref<1x128x128xf32, #tpu.memory_space<hbm>> -> memref<128x128xf32, #tpu.memory_space<hbm>>
      %dma_start3A_990 = arith.constant 0 : i32
      %dma_start3A_991 = arith.constant 0 : i32
      %dma_start3A_992 = tpu.memref_slice %arg10[%dma_start3A_977, %dma_start3A_990, %dma_start3A_991] : memref<2x200x128xf32, #tpu.memory_space<vmem>> -> memref<1x128x128xf32, #tpu.memory_space<vmem>>
      %dma_start3A_993 = tpu.memref_squeeze %dma_start3A_992 : memref<1x128x128xf32, #tpu.memory_space<vmem>> -> memref<128x128xf32, #tpu.memory_space<vmem>>
      tpu.enqueue_dma source(%dma_start3A_993 : memref<128x128xf32, #tpu.memory_space<vmem>>) target(%dma_start3A_989 : memref<128x128xf32, #tpu.memory_space<hbm>>) target_semaphore(%arg20 : memref<!tpu.dma_semaphore, #tpu.memory_space<semaphore_mem>>)
      %add3A_994 = arith.constant 3 : i32
      %add3A_995 = arith.addi %mul3A_750, %add3A_994 : i32
      %jit3A_996 = arith.constant 2 : i32
      %div3A_997 = arith.divsi %add3A_995, %jit3A_996 : i32
      %sign3A_998 = arith.constant 0 : i32
      %sign3A_999 = arith.cmpi sgt, %add3A_995, %sign3A_998 : i32
      %sign3A_1000 = arith.extui %sign3A_999 : i1 to i32
      %sign3A_1001 = arith.constant 0 : i32
      %sign3A_1002 = arith.cmpi slt, %add3A_995, %sign3A_1001 : i32
      %sign3A_1003 = arith.extui %sign3A_1002 : i1 to i32
      %sign3A_1004 = arith.subi %sign3A_1000, %sign3A_1003 : i32
      %sign3A_1005 = arith.constant 0 : i32
      %sign3A_1006 = arith.cmpi sgt, %jit3A_996, %sign3A_1005 : i32
      %sign3A_1007 = arith.extui %sign3A_1006 : i1 to i32
      %sign3A_1008 = arith.constant 0 : i32
      %sign3A_1009 = arith.cmpi slt, %jit3A_996, %sign3A_1008 : i32
      %sign3A_1010 = arith.extui %sign3A_1009 : i1 to i32
      %sign3A_1011 = arith.subi %sign3A_1007, %sign3A_1010 : i32
      %ne3A_1012 = arith.cmpi ne, %sign3A_1004, %sign3A_1011 : i32
      %rem3A_1013 = arith.remsi %add3A_995, %jit3A_996 : i32
      %ne3A_1014 = arith.constant 0 : i32
      %ne3A_1015 = arith.cmpi ne, %rem3A_1013, %ne3A_1014 : i32
      %and3A_1016 = arith.andi %ne3A_1012, %ne3A_1015 : i1
      %sub3A_1017 = arith.constant 1 : i32
      %sub3A_1018 = arith.subi %div3A_997, %sub3A_1017 : i32
      %select_n3A_1019 = arith.select %and3A_1016, %sub3A_1018, %div3A_997 : i32
      %dma_wait3A_1020 = arith.constant 1 : i32
      %dma_wait3A_1021 = arith.constant 128 : i32
      %dma_wait3A_1022 = arith.constant 0 : i32
      %dma_wait3A_1023 = tpu.memref_slice %arg10[%dma_wait3A_1020, %dma_wait3A_1021, %dma_wait3A_1022] : memref<2x200x128xf32, #tpu.memory_space<vmem>> -> memref<1x72x128xf32, #tpu.memory_space<vmem>>
      %dma_wait3A_1024 = tpu.memref_squeeze %dma_wait3A_1023 : memref<1x72x128xf32, #tpu.memory_space<vmem>> -> memref<72x128xf32, #tpu.memory_space<vmem>>
      %dma_wait3A_1025 = arith.constant 128 : i32
      %dma_wait3A_1026 = tpu.memref_slice %arg8[%select_n3A_1019, %dma_wait3A_1025] : memref<32x200xi32, #tpu.memory_space<vmem>> -> memref<1x72xi32, #tpu.memory_space<vmem>>
      %dma_wait3A_1027 = tpu.memref_squeeze %dma_wait3A_1026 : memref<1x72xi32, #tpu.memory_space<vmem>> -> memref<72xi32, #tpu.memory_space<vmem>>
      %dma_wait3A_1028 = arith.constant 0 : i32
      %dma_wait3A_1029 = arith.constant 0 : i32
      %dma_wait3A_1030 = tpu.memref_slice %arg4[%dma_wait3A_1028, %dma_wait3A_1029] : memref<100000x128xf32, #tpu.memory_space<hbm>> -> memref<100000x128xf32, #tpu.memory_space<hbm>>
      tpu.wait_indirect_dma semaphore(%arg17 : memref<!tpu.dma_semaphore, #tpu.memory_space<semaphore_mem>>) src(%dma_wait3A_1030 : memref<100000x128xf32, #tpu.memory_space<hbm>>) dst(%dma_wait3A_1024 : memref<72x128xf32, #tpu.memory_space<vmem>>)
      %add3A_1031 = arith.constant 3 : i32
      %add3A_1032 = arith.addi %mul3A_750, %add3A_1031 : i32
      %jit3A_1033 = arith.constant 2 : i32
      %div3A_1034 = arith.divsi %add3A_1032, %jit3A_1033 : i32
      %sign3A_1035 = arith.constant 0 : i32
      %sign3A_1036 = arith.cmpi sgt, %add3A_1032, %sign3A_1035 : i32
      %sign3A_1037 = arith.extui %sign3A_1036 : i1 to i32
      %sign3A_1038 = arith.constant 0 : i32
      %sign3A_1039 = arith.cmpi slt, %add3A_1032, %sign3A_1038 : i32
      %sign3A_1040 = arith.extui %sign3A_1039 : i1 to i32
      %sign3A_1041 = arith.subi %sign3A_1037, %sign3A_1040 : i32
      %sign3A_1042 = arith.constant 0 : i32
      %sign3A_1043 = arith.cmpi sgt, %jit3A_1033, %sign3A_1042 : i32
      %sign3A_1044 = arith.extui %sign3A_1043 : i1 to i32
      %sign3A_1045 = arith.constant 0 : i32
      %sign3A_1046 = arith.cmpi slt, %jit3A_1033, %sign3A_1045 : i32
      %sign3A_1047 = arith.extui %sign3A_1046 : i1 to i32
      %sign3A_1048 = arith.subi %sign3A_1044, %sign3A_1047 : i32
      %ne3A_1049 = arith.cmpi ne, %sign3A_1041, %sign3A_1048 : i32
      %rem3A_1050 = arith.remsi %add3A_1032, %jit3A_1033 : i32
      %ne3A_1051 = arith.constant 0 : i32
      %ne3A_1052 = arith.cmpi ne, %rem3A_1050, %ne3A_1051 : i32
      %and3A_1053 = arith.andi %ne3A_1049, %ne3A_1052 : i1
      %sub3A_1054 = arith.constant 1 : i32
      %sub3A_1055 = arith.subi %div3A_1034, %sub3A_1054 : i32
      %select_n3A_1056 = arith.select %and3A_1053, %sub3A_1055, %div3A_1034 : i32
      %add3A_1057 = arith.addi %mul3A_2, %select_n3A_1056 : i32
      %dma_start3A_1058 = arith.constant 1 : i32
      %dma_start3A_1059 = arith.constant 128 : i32
      %dma_start3A_1060 = arith.constant 0 : i32
      %dma_start3A_1061 = tpu.memref_slice %arg10[%dma_start3A_1058, %dma_start3A_1059, %dma_start3A_1060] : memref<2x200x128xf32, #tpu.memory_space<vmem>> -> memref<1x72x128xf32, #tpu.memory_space<vmem>>
      %dma_start3A_1062 = tpu.memref_squeeze %dma_start3A_1061 : memref<1x72x128xf32, #tpu.memory_space<vmem>> -> memref<72x128xf32, #tpu.memory_space<vmem>>
      %dma_start3A_1063 = arith.constant 128 : i32
      %dma_start3A_1064 = arith.constant 0 : i32
      %dma_start3A_1065 = tpu.memref_slice %arg6[%add3A_1057, %dma_start3A_1063, %dma_start3A_1064] : memref<1024x200x128xf32, #tpu.memory_space<hbm>> -> memref<1x72x128xf32, #tpu.memory_space<hbm>>
      %dma_start3A_1066 = tpu.memref_squeeze %dma_start3A_1065 : memref<1x72x128xf32, #tpu.memory_space<hbm>> -> memref<72x128xf32, #tpu.memory_space<hbm>>
      %dma_start3A_1067 = arith.constant 128 : i32
      %dma_start3A_1068 = arith.constant 0 : i32
      %dma_start3A_1069 = tpu.memref_slice %arg6[%add3A_1057, %dma_start3A_1067, %dma_start3A_1068] : memref<1024x200x128xf32, #tpu.memory_space<hbm>> -> memref<1x72x128xf32, #tpu.memory_space<hbm>>
      %dma_start3A_1070 = tpu.memref_squeeze %dma_start3A_1069 : memref<1x72x128xf32, #tpu.memory_space<hbm>> -> memref<72x128xf32, #tpu.memory_space<hbm>>
      %dma_start3A_1071 = arith.constant 128 : i32
      %dma_start3A_1072 = arith.constant 0 : i32
      %dma_start3A_1073 = tpu.memref_slice %arg10[%dma_start3A_1058, %dma_start3A_1071, %dma_start3A_1072] : memref<2x200x128xf32, #tpu.memory_space<vmem>> -> memref<1x72x128xf32, #tpu.memory_space<vmem>>
      %dma_start3A_1074 = tpu.memref_squeeze %dma_start3A_1073 : memref<1x72x128xf32, #tpu.memory_space<vmem>> -> memref<72x128xf32, #tpu.memory_space<vmem>>
      tpu.enqueue_dma source(%dma_start3A_1074 : memref<72x128xf32, #tpu.memory_space<vmem>>) target(%dma_start3A_1070 : memref<72x128xf32, #tpu.memory_space<hbm>>) target_semaphore(%arg21 : memref<!tpu.dma_semaphore, #tpu.memory_space<semaphore_mem>>)
      %mul3A_1075 = arith.constant 2 : i32
      %mul3A_1076 = arith.muli %add3A_744, %mul3A_1075 : i32
      %add3A_1077 = arith.constant 0 : i32
      %add3A_1078 = arith.addi %mul3A_1076, %add3A_1077 : i32
      %mul3A_1079 = arith.constant 2 : i32
      %mul3A_1080 = arith.muli %add3A_744, %mul3A_1079 : i32
      %add3A_1081 = arith.constant 1 : i32
      %add3A_1082 = arith.addi %mul3A_1080, %add3A_1081 : i32
      %dma_wait3A_1083 = arith.constant 1 : i32
      %dma_wait3A_1084 = arith.constant 0 : i32
      %dma_wait3A_1085 = arith.constant 0 : i32
      %dma_wait3A_1086 = arith.constant 0 : i32
      %dma_wait3A_1087 = tpu.memref_slice %arg11[%dma_wait3A_1083, %dma_wait3A_1084, %dma_wait3A_1085, %dma_wait3A_1086] : memref<2x2x50x128xf32, #tpu.memory_space<vmem>> -> memref<1x1x50x128xf32, #tpu.memory_space<vmem>>
      %dma_wait3A_1088 = tpu.memref_squeeze %dma_wait3A_1087 : memref<1x1x50x128xf32, #tpu.memory_space<vmem>> -> memref<50x128xf32, #tpu.memory_space<vmem>>
      %dma_wait3A_1089 = arith.constant 0 : i32
      %dma_wait3A_1090 = tpu.memref_slice %arg9[%add3A_1078, %dma_wait3A_1089] : memref<32x50xi32, #tpu.memory_space<vmem>> -> memref<1x50xi32, #tpu.memory_space<vmem>>
      %dma_wait3A_1091 = tpu.memref_squeeze %dma_wait3A_1090 : memref<1x50xi32, #tpu.memory_space<vmem>> -> memref<50xi32, #tpu.memory_space<vmem>>
      %dma_wait3A_1092 = arith.constant 0 : i32
      %dma_wait3A_1093 = arith.constant 0 : i32
      %dma_wait3A_1094 = tpu.memref_slice %arg5[%dma_wait3A_1092, %dma_wait3A_1093] : memref<100000x128xf32, #tpu.memory_space<hbm>> -> memref<100000x128xf32, #tpu.memory_space<hbm>>
      tpu.wait_indirect_dma semaphore(%arg23 : memref<!tpu.dma_semaphore, #tpu.memory_space<semaphore_mem>>) src(%dma_wait3A_1094 : memref<100000x128xf32, #tpu.memory_space<hbm>>) dst(%dma_wait3A_1088 : memref<50x128xf32, #tpu.memory_space<vmem>>)
      %dma_wait3A_1095 = arith.constant 1 : i32
      %dma_wait3A_1096 = arith.constant 1 : i32
      %dma_wait3A_1097 = arith.constant 0 : i32
      %dma_wait3A_1098 = arith.constant 0 : i32
      %dma_wait3A_1099 = tpu.memref_slice %arg11[%dma_wait3A_1095, %dma_wait3A_1096, %dma_wait3A_1097, %dma_wait3A_1098] : memref<2x2x50x128xf32, #tpu.memory_space<vmem>> -> memref<1x1x50x128xf32, #tpu.memory_space<vmem>>
      %dma_wait3A_1100 = tpu.memref_squeeze %dma_wait3A_1099 : memref<1x1x50x128xf32, #tpu.memory_space<vmem>> -> memref<50x128xf32, #tpu.memory_space<vmem>>
      %dma_wait3A_1101 = arith.constant 0 : i32
      %dma_wait3A_1102 = tpu.memref_slice %arg9[%add3A_1082, %dma_wait3A_1101] : memref<32x50xi32, #tpu.memory_space<vmem>> -> memref<1x50xi32, #tpu.memory_space<vmem>>
      %dma_wait3A_1103 = tpu.memref_squeeze %dma_wait3A_1102 : memref<1x50xi32, #tpu.memory_space<vmem>> -> memref<50xi32, #tpu.memory_space<vmem>>
      %dma_wait3A_1104 = arith.constant 0 : i32
      %dma_wait3A_1105 = arith.constant 0 : i32
      %dma_wait3A_1106 = tpu.memref_slice %arg5[%dma_wait3A_1104, %dma_wait3A_1105] : memref<100000x128xf32, #tpu.memory_space<hbm>> -> memref<100000x128xf32, #tpu.memory_space<hbm>>
      tpu.wait_indirect_dma semaphore(%arg23 : memref<!tpu.dma_semaphore, #tpu.memory_space<semaphore_mem>>) src(%dma_wait3A_1106 : memref<100000x128xf32, #tpu.memory_space<hbm>>) dst(%dma_wait3A_1100 : memref<50x128xf32, #tpu.memory_space<vmem>>)
      %mul3A_1107 = arith.constant 2 : i32
      %mul3A_1108 = arith.muli %add3A_744, %mul3A_1107 : i32
      %add3A_1109 = arith.addi %mul3A_2, %mul3A_1108 : i32
      %dma_start3A_1110 = arith.constant 1 : i32
      %dma_start3A_1111 = arith.constant 0 : i32
      %dma_start3A_1112 = arith.constant 0 : i32
      %dma_start3A_1113 = arith.constant 0 : i32
      %dma_start3A_1114 = tpu.memref_slice %arg11[%dma_start3A_1110, %dma_start3A_1111, %dma_start3A_1112, %dma_start3A_1113] : memref<2x2x50x128xf32, #tpu.memory_space<vmem>> -> memref<1x2x50x128xf32, #tpu.memory_space<vmem>>
      %dma_start3A_1115 = tpu.memref_squeeze %dma_start3A_1114 : memref<1x2x50x128xf32, #tpu.memory_space<vmem>> -> memref<2x50x128xf32, #tpu.memory_space<vmem>>
      %dma_start3A_1116 = arith.constant 0 : i32
      %dma_start3A_1117 = arith.constant 0 : i32
      %dma_start3A_1118 = tpu.memref_slice %arg7[%add3A_1109, %dma_start3A_1116, %dma_start3A_1117] : memref<1024x50x128xf32, #tpu.memory_space<hbm>> -> memref<2x50x128xf32, #tpu.memory_space<hbm>>
      %dma_start3A_1119 = arith.constant 0 : i32
      %dma_start3A_1120 = arith.constant 0 : i32
      %dma_start3A_1121 = tpu.memref_slice %arg7[%add3A_1109, %dma_start3A_1119, %dma_start3A_1120] : memref<1024x50x128xf32, #tpu.memory_space<hbm>> -> memref<2x50x128xf32, #tpu.memory_space<hbm>>
      %dma_start3A_1122 = arith.constant 0 : i32
      %dma_start3A_1123 = arith.constant 0 : i32
      %dma_start3A_1124 = arith.constant 0 : i32
      %dma_start3A_1125 = tpu.memref_slice %arg11[%dma_start3A_1110, %dma_start3A_1122, %dma_start3A_1123, %dma_start3A_1124] : memref<2x2x50x128xf32, #tpu.memory_space<vmem>> -> memref<1x2x50x128xf32, #tpu.memory_space<vmem>>
      %dma_start3A_1126 = tpu.memref_squeeze %dma_start3A_1125 : memref<1x2x50x128xf32, #tpu.memory_space<vmem>> -> memref<2x50x128xf32, #tpu.memory_space<vmem>>
      tpu.enqueue_dma source(%dma_start3A_1126 : memref<2x50x128xf32, #tpu.memory_space<vmem>>) target(%dma_start3A_1121 : memref<2x50x128xf32, #tpu.memory_space<hbm>>) target_semaphore(%arg25 : memref<!tpu.dma_semaphore, #tpu.memory_space<semaphore_mem>>)
      %add3A_1127 = arith.constant 0 : i32
      %add3A_1128 = arith.addi %mul3A_750, %add3A_1127 : i32
      %jit3A_1129 = arith.constant 2 : i32
      %div3A_1130 = arith.divsi %add3A_1128, %jit3A_1129 : i32
      %sign3A_1131 = arith.constant 0 : i32
      %sign3A_1132 = arith.cmpi sgt, %add3A_1128, %sign3A_1131 : i32
      %sign3A_1133 = arith.extui %sign3A_1132 : i1 to i32
      %sign3A_1134 = arith.constant 0 : i32
      %sign3A_1135 = arith.cmpi slt, %add3A_1128, %sign3A_1134 : i32
      %sign3A_1136 = arith.extui %sign3A_1135 : i1 to i32
      %sign3A_1137 = arith.subi %sign3A_1133, %sign3A_1136 : i32
      %sign3A_1138 = arith.constant 0 : i32
      %sign3A_1139 = arith.cmpi sgt, %jit3A_1129, %sign3A_1138 : i32
      %sign3A_1140 = arith.extui %sign3A_1139 : i1 to i32
      %sign3A_1141 = arith.constant 0 : i32
      %sign3A_1142 = arith.cmpi slt, %jit3A_1129, %sign3A_1141 : i32
      %sign3A_1143 = arith.extui %sign3A_1142 : i1 to i32
      %sign3A_1144 = arith.subi %sign3A_1140, %sign3A_1143 : i32
      %ne3A_1145 = arith.cmpi ne, %sign3A_1137, %sign3A_1144 : i32
      %rem3A_1146 = arith.remsi %add3A_1128, %jit3A_1129 : i32
      %ne3A_1147 = arith.constant 0 : i32
      %ne3A_1148 = arith.cmpi ne, %rem3A_1146, %ne3A_1147 : i32
      %and3A_1149 = arith.andi %ne3A_1145, %ne3A_1148 : i1
      %sub3A_1150 = arith.constant 1 : i32
      %sub3A_1151 = arith.subi %div3A_1130, %sub3A_1150 : i32
      %select_n3A_1152 = arith.select %and3A_1149, %sub3A_1151, %div3A_1130 : i32
      %add3A_1153 = arith.addi %mul3A_2, %select_n3A_1152 : i32
      %dma_wait3A_1154 = arith.constant 0 : i32
      %dma_wait3A_1155 = arith.constant 0 : i32
      %dma_wait3A_1156 = arith.constant 0 : i32
      %dma_wait3A_1157 = tpu.memref_slice %arg10[%dma_wait3A_1154, %dma_wait3A_1155, %dma_wait3A_1156] : memref<2x200x128xf32, #tpu.memory_space<vmem>> -> memref<1x128x128xf32, #tpu.memory_space<vmem>>
      %dma_wait3A_1158 = tpu.memref_squeeze %dma_wait3A_1157 : memref<1x128x128xf32, #tpu.memory_space<vmem>> -> memref<128x128xf32, #tpu.memory_space<vmem>>
      %dma_wait3A_1159 = arith.constant 0 : i32
      %dma_wait3A_1160 = arith.constant 0 : i32
      %dma_wait3A_1161 = tpu.memref_slice %arg6[%add3A_1153, %dma_wait3A_1159, %dma_wait3A_1160] : memref<1024x200x128xf32, #tpu.memory_space<hbm>> -> memref<1x128x128xf32, #tpu.memory_space<hbm>>
      %dma_wait3A_1162 = tpu.memref_squeeze %dma_wait3A_1161 : memref<1x128x128xf32, #tpu.memory_space<hbm>> -> memref<128x128xf32, #tpu.memory_space<hbm>>
      %dma_wait3A_1163 = arith.constant 0 : i32
      %dma_wait3A_1164 = arith.constant 0 : i32
      %dma_wait3A_1165 = tpu.memref_slice %arg6[%add3A_1153, %dma_wait3A_1163, %dma_wait3A_1164] : memref<1024x200x128xf32, #tpu.memory_space<hbm>> -> memref<1x128x128xf32, #tpu.memory_space<hbm>>
      %dma_wait3A_1166 = tpu.memref_squeeze %dma_wait3A_1165 : memref<1x128x128xf32, #tpu.memory_space<hbm>> -> memref<128x128xf32, #tpu.memory_space<hbm>>
      %dma_wait3A_1167 = arith.constant 0 : i32
      %dma_wait3A_1168 = arith.constant 0 : i32
      %dma_wait3A_1169 = tpu.memref_slice %arg10[%dma_wait3A_1154, %dma_wait3A_1167, %dma_wait3A_1168] : memref<2x200x128xf32, #tpu.memory_space<vmem>> -> memref<1x128x128xf32, #tpu.memory_space<vmem>>
      %dma_wait3A_1170 = tpu.memref_squeeze %dma_wait3A_1169 : memref<1x128x128xf32, #tpu.memory_space<vmem>> -> memref<128x128xf32, #tpu.memory_space<vmem>>
      tpu.wait_dma2 semaphore(%arg18 : memref<!tpu.dma_semaphore, #tpu.memory_space<semaphore_mem>>) src(%dma_wait3A_1170 : memref<128x128xf32, #tpu.memory_space<vmem>>) dst(%dma_wait3A_1166 : memref<128x128xf32, #tpu.memory_space<hbm>>)
      %add3A_1171 = arith.constant 0 : i32
      %add3A_1172 = arith.addi %mul3A_750, %add3A_1171 : i32
      %add3A_1173 = arith.constant 4 : i32
      %add3A_1174 = arith.addi %add3A_1172, %add3A_1173 : i32
      %lt3A_1175 = arith.constant 64 : i32
      %lt3A_1176 = arith.cmpi slt, %add3A_1174, %lt3A_1175 : i32
      %convert_element_type3A_1177 = arith.extui %lt3A_1176 : i1 to i32
      %cond3A_1178 = arith.constant 0 : i32
      %cond3A_1179 = arith.cmpi ne, %convert_element_type3A_1177, %cond3A_1178 : i32
      scf.if %cond3A_1179 {
        %add3A_1366 = arith.constant 0 : i32
        %add3A_1367 = arith.addi %mul3A_750, %add3A_1366 : i32
        %add3A_1368 = arith.constant 4 : i32
        %add3A_1369 = arith.addi %add3A_1367, %add3A_1368 : i32
        %jit3A_1370 = arith.constant 2 : i32
        %div3A_1371 = arith.divsi %add3A_1369, %jit3A_1370 : i32
        %sign3A_1372 = arith.constant 0 : i32
        %sign3A_1373 = arith.cmpi sgt, %add3A_1369, %sign3A_1372 : i32
        %sign3A_1374 = arith.extui %sign3A_1373 : i1 to i32
        %sign3A_1375 = arith.constant 0 : i32
        %sign3A_1376 = arith.cmpi slt, %add3A_1369, %sign3A_1375 : i32
        %sign3A_1377 = arith.extui %sign3A_1376 : i1 to i32
        %sign3A_1378 = arith.subi %sign3A_1374, %sign3A_1377 : i32
        %sign3A_1379 = arith.constant 0 : i32
        %sign3A_1380 = arith.cmpi sgt, %jit3A_1370, %sign3A_1379 : i32
        %sign3A_1381 = arith.extui %sign3A_1380 : i1 to i32
        %sign3A_1382 = arith.constant 0 : i32
        %sign3A_1383 = arith.cmpi slt, %jit3A_1370, %sign3A_1382 : i32
        %sign3A_1384 = arith.extui %sign3A_1383 : i1 to i32
        %sign3A_1385 = arith.subi %sign3A_1381, %sign3A_1384 : i32
        %ne3A_1386 = arith.cmpi ne, %sign3A_1378, %sign3A_1385 : i32
        %rem3A_1387 = arith.remsi %add3A_1369, %jit3A_1370 : i32
        %ne3A_1388 = arith.constant 0 : i32
        %ne3A_1389 = arith.cmpi ne, %rem3A_1387, %ne3A_1388 : i32
        %and3A_1390 = arith.andi %ne3A_1386, %ne3A_1389 : i1
        %sub3A_1391 = arith.constant 1 : i32
        %sub3A_1392 = arith.subi %div3A_1371, %sub3A_1391 : i32
        %select_n3A_1393 = arith.select %and3A_1390, %sub3A_1392, %div3A_1371 : i32
        %dma_start3A_1394 = arith.constant 0 : i32
        %dma_start3A_1395 = arith.constant 0 : i32
        %dma_start3A_1396 = arith.constant 0 : i32
        %dma_start3A_1397 = tpu.memref_slice %arg10[%dma_start3A_1394, %dma_start3A_1395, %dma_start3A_1396] : memref<2x200x128xf32, #tpu.memory_space<vmem>> -> memref<1x128x128xf32, #tpu.memory_space<vmem>>
        %dma_start3A_1398 = tpu.memref_squeeze %dma_start3A_1397 : memref<1x128x128xf32, #tpu.memory_space<vmem>> -> memref<128x128xf32, #tpu.memory_space<vmem>>
        %dma_start3A_1399 = arith.constant 0 : i32
        %dma_start3A_1400 = tpu.memref_slice %arg8[%select_n3A_1393, %dma_start3A_1399] : memref<32x200xi32, #tpu.memory_space<vmem>> -> memref<1x128xi32, #tpu.memory_space<vmem>>
        %dma_start3A_1401 = tpu.memref_squeeze %dma_start3A_1400 : memref<1x128xi32, #tpu.memory_space<vmem>> -> memref<128xi32, #tpu.memory_space<vmem>>
        %dma_start3A_1402 = arith.constant 0 : i32
        %dma_start3A_1403 = arith.constant 0 : i32
        %dma_start3A_1404 = tpu.memref_slice %arg4[%dma_start3A_1402, %dma_start3A_1403] : memref<100000x128xf32, #tpu.memory_space<hbm>> -> memref<100000x128xf32, #tpu.memory_space<hbm>>
        tpu.enqueue_indirect_dma source(%dma_start3A_1404 : memref<100000x128xf32, #tpu.memory_space<hbm>>) target(%dma_start3A_1398 : memref<128x128xf32, #tpu.memory_space<vmem>>) offsets(%dma_start3A_1401 : memref<128xi32, #tpu.memory_space<vmem>>) semaphore(%arg14 : memref<!tpu.dma_semaphore, #tpu.memory_space<semaphore_mem>>)
      } else {
      }
      %add3A_1180 = arith.constant 1 : i32
      %add3A_1181 = arith.addi %mul3A_750, %add3A_1180 : i32
      %jit3A_1182 = arith.constant 2 : i32
      %div3A_1183 = arith.divsi %add3A_1181, %jit3A_1182 : i32
      %sign3A_1184 = arith.constant 0 : i32
      %sign3A_1185 = arith.cmpi sgt, %add3A_1181, %sign3A_1184 : i32
      %sign3A_1186 = arith.extui %sign3A_1185 : i1 to i32
      %sign3A_1187 = arith.constant 0 : i32
      %sign3A_1188 = arith.cmpi slt, %add3A_1181, %sign3A_1187 : i32
      %sign3A_1189 = arith.extui %sign3A_1188 : i1 to i32
      %sign3A_1190 = arith.subi %sign3A_1186, %sign3A_1189 : i32
      %sign3A_1191 = arith.constant 0 : i32
      %sign3A_1192 = arith.cmpi sgt, %jit3A_1182, %sign3A_1191 : i32
      %sign3A_1193 = arith.extui %sign3A_1192 : i1 to i32
      %sign3A_1194 = arith.constant 0 : i32
      %sign3A_1195 = arith.cmpi slt, %jit3A_1182, %sign3A_1194 : i32
      %sign3A_1196 = arith.extui %sign3A_1195 : i1 to i32
      %sign3A_1197 = arith.subi %sign3A_1193, %sign3A_1196 : i32
      %ne3A_1198 = arith.cmpi ne, %sign3A_1190, %sign3A_1197 : i32
      %rem3A_1199 = arith.remsi %add3A_1181, %jit3A_1182 : i32
      %ne3A_1200 = arith.constant 0 : i32
      %ne3A_1201 = arith.cmpi ne, %rem3A_1199, %ne3A_1200 : i32
      %and3A_1202 = arith.andi %ne3A_1198, %ne3A_1201 : i1
      %sub3A_1203 = arith.constant 1 : i32
      %sub3A_1204 = arith.subi %div3A_1183, %sub3A_1203 : i32
      %select_n3A_1205 = arith.select %and3A_1202, %sub3A_1204, %div3A_1183 : i32
      %add3A_1206 = arith.addi %mul3A_2, %select_n3A_1205 : i32
      %dma_wait3A_1207 = arith.constant 0 : i32
      %dma_wait3A_1208 = arith.constant 128 : i32
      %dma_wait3A_1209 = arith.constant 0 : i32
      %dma_wait3A_1210 = tpu.memref_slice %arg10[%dma_wait3A_1207, %dma_wait3A_1208, %dma_wait3A_1209] : memref<2x200x128xf32, #tpu.memory_space<vmem>> -> memref<1x72x128xf32, #tpu.memory_space<vmem>>
      %dma_wait3A_1211 = tpu.memref_squeeze %dma_wait3A_1210 : memref<1x72x128xf32, #tpu.memory_space<vmem>> -> memref<72x128xf32, #tpu.memory_space<vmem>>
      %dma_wait3A_1212 = arith.constant 128 : i32
      %dma_wait3A_1213 = arith.constant 0 : i32
      %dma_wait3A_1214 = tpu.memref_slice %arg6[%add3A_1206, %dma_wait3A_1212, %dma_wait3A_1213] : memref<1024x200x128xf32, #tpu.memory_space<hbm>> -> memref<1x72x128xf32, #tpu.memory_space<hbm>>
      %dma_wait3A_1215 = tpu.memref_squeeze %dma_wait3A_1214 : memref<1x72x128xf32, #tpu.memory_space<hbm>> -> memref<72x128xf32, #tpu.memory_space<hbm>>
      %dma_wait3A_1216 = arith.constant 128 : i32
      %dma_wait3A_1217 = arith.constant 0 : i32
      %dma_wait3A_1218 = tpu.memref_slice %arg6[%add3A_1206, %dma_wait3A_1216, %dma_wait3A_1217] : memref<1024x200x128xf32, #tpu.memory_space<hbm>> -> memref<1x72x128xf32, #tpu.memory_space<hbm>>
      %dma_wait3A_1219 = tpu.memref_squeeze %dma_wait3A_1218 : memref<1x72x128xf32, #tpu.memory_space<hbm>> -> memref<72x128xf32, #tpu.memory_space<hbm>>
      %dma_wait3A_1220 = arith.constant 128 : i32
      %dma_wait3A_1221 = arith.constant 0 : i32
      %dma_wait3A_1222 = tpu.memref_slice %arg10[%dma_wait3A_1207, %dma_wait3A_1220, %dma_wait3A_1221] : memref<2x200x128xf32, #tpu.memory_space<vmem>> -> memref<1x72x128xf32, #tpu.memory_space<vmem>>
      %dma_wait3A_1223 = tpu.memref_squeeze %dma_wait3A_1222 : memref<1x72x128xf32, #tpu.memory_space<vmem>> -> memref<72x128xf32, #tpu.memory_space<vmem>>
      tpu.wait_dma2 semaphore(%arg19 : memref<!tpu.dma_semaphore, #tpu.memory_space<semaphore_mem>>) src(%dma_wait3A_1223 : memref<72x128xf32, #tpu.memory_space<vmem>>) dst(%dma_wait3A_1219 : memref<72x128xf32, #tpu.memory_space<hbm>>)
      %add3A_1224 = arith.constant 1 : i32
      %add3A_1225 = arith.addi %mul3A_750, %add3A_1224 : i32
      %add3A_1226 = arith.constant 4 : i32
      %add3A_1227 = arith.addi %add3A_1225, %add3A_1226 : i32
      %lt3A_1228 = arith.constant 64 : i32
      %lt3A_1229 = arith.cmpi slt, %add3A_1227, %lt3A_1228 : i32
      %convert_element_type3A_1230 = arith.extui %lt3A_1229 : i1 to i32
      %cond3A_1231 = arith.constant 0 : i32
      %cond3A_1232 = arith.cmpi ne, %convert_element_type3A_1230, %cond3A_1231 : i32
      scf.if %cond3A_1232 {
        %add3A_1366 = arith.constant 1 : i32
        %add3A_1367 = arith.addi %mul3A_750, %add3A_1366 : i32
        %add3A_1368 = arith.constant 4 : i32
        %add3A_1369 = arith.addi %add3A_1367, %add3A_1368 : i32
        %jit3A_1370 = arith.constant 2 : i32
        %div3A_1371 = arith.divsi %add3A_1369, %jit3A_1370 : i32
        %sign3A_1372 = arith.constant 0 : i32
        %sign3A_1373 = arith.cmpi sgt, %add3A_1369, %sign3A_1372 : i32
        %sign3A_1374 = arith.extui %sign3A_1373 : i1 to i32
        %sign3A_1375 = arith.constant 0 : i32
        %sign3A_1376 = arith.cmpi slt, %add3A_1369, %sign3A_1375 : i32
        %sign3A_1377 = arith.extui %sign3A_1376 : i1 to i32
        %sign3A_1378 = arith.subi %sign3A_1374, %sign3A_1377 : i32
        %sign3A_1379 = arith.constant 0 : i32
        %sign3A_1380 = arith.cmpi sgt, %jit3A_1370, %sign3A_1379 : i32
        %sign3A_1381 = arith.extui %sign3A_1380 : i1 to i32
        %sign3A_1382 = arith.constant 0 : i32
        %sign3A_1383 = arith.cmpi slt, %jit3A_1370, %sign3A_1382 : i32
        %sign3A_1384 = arith.extui %sign3A_1383 : i1 to i32
        %sign3A_1385 = arith.subi %sign3A_1381, %sign3A_1384 : i32
        %ne3A_1386 = arith.cmpi ne, %sign3A_1378, %sign3A_1385 : i32
        %rem3A_1387 = arith.remsi %add3A_1369, %jit3A_1370 : i32
        %ne3A_1388 = arith.constant 0 : i32
        %ne3A_1389 = arith.cmpi ne, %rem3A_1387, %ne3A_1388 : i32
        %and3A_1390 = arith.andi %ne3A_1386, %ne3A_1389 : i1
        %sub3A_1391 = arith.constant 1 : i32
        %sub3A_1392 = arith.subi %div3A_1371, %sub3A_1391 : i32
        %select_n3A_1393 = arith.select %and3A_1390, %sub3A_1392, %div3A_1371 : i32
        %dma_start3A_1394 = arith.constant 0 : i32
        %dma_start3A_1395 = arith.constant 128 : i32
        %dma_start3A_1396 = arith.constant 0 : i32
        %dma_start3A_1397 = tpu.memref_slice %arg10[%dma_start3A_1394, %dma_start3A_1395, %dma_start3A_1396] : memref<2x200x128xf32, #tpu.memory_space<vmem>> -> memref<1x72x128xf32, #tpu.memory_space<vmem>>
        %dma_start3A_1398 = tpu.memref_squeeze %dma_start3A_1397 : memref<1x72x128xf32, #tpu.memory_space<vmem>> -> memref<72x128xf32, #tpu.memory_space<vmem>>
        %dma_start3A_1399 = arith.constant 128 : i32
        %dma_start3A_1400 = tpu.memref_slice %arg8[%select_n3A_1393, %dma_start3A_1399] : memref<32x200xi32, #tpu.memory_space<vmem>> -> memref<1x72xi32, #tpu.memory_space<vmem>>
        %dma_start3A_1401 = tpu.memref_squeeze %dma_start3A_1400 : memref<1x72xi32, #tpu.memory_space<vmem>> -> memref<72xi32, #tpu.memory_space<vmem>>
        %dma_start3A_1402 = arith.constant 0 : i32
        %dma_start3A_1403 = arith.constant 0 : i32
        %dma_start3A_1404 = tpu.memref_slice %arg4[%dma_start3A_1402, %dma_start3A_1403] : memref<100000x128xf32, #tpu.memory_space<hbm>> -> memref<100000x128xf32, #tpu.memory_space<hbm>>
        tpu.enqueue_indirect_dma source(%dma_start3A_1404 : memref<100000x128xf32, #tpu.memory_space<hbm>>) target(%dma_start3A_1398 : memref<72x128xf32, #tpu.memory_space<vmem>>) offsets(%dma_start3A_1401 : memref<72xi32, #tpu.memory_space<vmem>>) semaphore(%arg15 : memref<!tpu.dma_semaphore, #tpu.memory_space<semaphore_mem>>)
      } else {
      }
      %add3A_1233 = arith.constant 2 : i32
      %add3A_1234 = arith.addi %mul3A_750, %add3A_1233 : i32
      %jit3A_1235 = arith.constant 2 : i32
      %div3A_1236 = arith.divsi %add3A_1234, %jit3A_1235 : i32
      %sign3A_1237 = arith.constant 0 : i32
      %sign3A_1238 = arith.cmpi sgt, %add3A_1234, %sign3A_1237 : i32
      %sign3A_1239 = arith.extui %sign3A_1238 : i1 to i32
      %sign3A_1240 = arith.constant 0 : i32
      %sign3A_1241 = arith.cmpi slt, %add3A_1234, %sign3A_1240 : i32
      %sign3A_1242 = arith.extui %sign3A_1241 : i1 to i32
      %sign3A_1243 = arith.subi %sign3A_1239, %sign3A_1242 : i32
      %sign3A_1244 = arith.constant 0 : i32
      %sign3A_1245 = arith.cmpi sgt, %jit3A_1235, %sign3A_1244 : i32
      %sign3A_1246 = arith.extui %sign3A_1245 : i1 to i32
      %sign3A_1247 = arith.constant 0 : i32
      %sign3A_1248 = arith.cmpi slt, %jit3A_1235, %sign3A_1247 : i32
      %sign3A_1249 = arith.extui %sign3A_1248 : i1 to i32
      %sign3A_1250 = arith.subi %sign3A_1246, %sign3A_1249 : i32
      %ne3A_1251 = arith.cmpi ne, %sign3A_1243, %sign3A_1250 : i32
      %rem3A_1252 = arith.remsi %add3A_1234, %jit3A_1235 : i32
      %ne3A_1253 = arith.constant 0 : i32
      %ne3A_1254 = arith.cmpi ne, %rem3A_1252, %ne3A_1253 : i32
      %and3A_1255 = arith.andi %ne3A_1251, %ne3A_1254 : i1
      %sub3A_1256 = arith.constant 1 : i32
      %sub3A_1257 = arith.subi %div3A_1236, %sub3A_1256 : i32
      %select_n3A_1258 = arith.select %and3A_1255, %sub3A_1257, %div3A_1236 : i32
      %add3A_1259 = arith.addi %mul3A_2, %select_n3A_1258 : i32
      %dma_wait3A_1260 = arith.constant 1 : i32
      %dma_wait3A_1261 = arith.constant 0 : i32
      %dma_wait3A_1262 = arith.constant 0 : i32
      %dma_wait3A_1263 = tpu.memref_slice %arg10[%dma_wait3A_1260, %dma_wait3A_1261, %dma_wait3A_1262] : memref<2x200x128xf32, #tpu.memory_space<vmem>> -> memref<1x128x128xf32, #tpu.memory_space<vmem>>
      %dma_wait3A_1264 = tpu.memref_squeeze %dma_wait3A_1263 : memref<1x128x128xf32, #tpu.memory_space<vmem>> -> memref<128x128xf32, #tpu.memory_space<vmem>>
      %dma_wait3A_1265 = arith.constant 0 : i32
      %dma_wait3A_1266 = arith.constant 0 : i32
      %dma_wait3A_1267 = tpu.memref_slice %arg6[%add3A_1259, %dma_wait3A_1265, %dma_wait3A_1266] : memref<1024x200x128xf32, #tpu.memory_space<hbm>> -> memref<1x128x128xf32, #tpu.memory_space<hbm>>
      %dma_wait3A_1268 = tpu.memref_squeeze %dma_wait3A_1267 : memref<1x128x128xf32, #tpu.memory_space<hbm>> -> memref<128x128xf32, #tpu.memory_space<hbm>>
      %dma_wait3A_1269 = arith.constant 0 : i32
      %dma_wait3A_1270 = arith.constant 0 : i32
      %dma_wait3A_1271 = tpu.memref_slice %arg6[%add3A_1259, %dma_wait3A_1269, %dma_wait3A_1270] : memref<1024x200x128xf32, #tpu.memory_space<hbm>> -> memref<1x128x128xf32, #tpu.memory_space<hbm>>
      %dma_wait3A_1272 = tpu.memref_squeeze %dma_wait3A_1271 : memref<1x128x128xf32, #tpu.memory_space<hbm>> -> memref<128x128xf32, #tpu.memory_space<hbm>>
      %dma_wait3A_1273 = arith.constant 0 : i32
      %dma_wait3A_1274 = arith.constant 0 : i32
      %dma_wait3A_1275 = tpu.memref_slice %arg10[%dma_wait3A_1260, %dma_wait3A_1273, %dma_wait3A_1274] : memref<2x200x128xf32, #tpu.memory_space<vmem>> -> memref<1x128x128xf32, #tpu.memory_space<vmem>>
      %dma_wait3A_1276 = tpu.memref_squeeze %dma_wait3A_1275 : memref<1x128x128xf32, #tpu.memory_space<vmem>> -> memref<128x128xf32, #tpu.memory_space<vmem>>
      tpu.wait_dma2 semaphore(%arg20 : memref<!tpu.dma_semaphore, #tpu.memory_space<semaphore_mem>>) src(%dma_wait3A_1276 : memref<128x128xf32, #tpu.memory_space<vmem>>) dst(%dma_wait3A_1272 : memref<128x128xf32, #tpu.memory_space<hbm>>)
      %add3A_1277 = arith.constant 2 : i32
      %add3A_1278 = arith.addi %mul3A_750, %add3A_1277 : i32
      %add3A_1279 = arith.constant 4 : i32
      %add3A_1280 = arith.addi %add3A_1278, %add3A_1279 : i32
      %lt3A_1281 = arith.constant 64 : i32
      %lt3A_1282 = arith.cmpi slt, %add3A_1280, %lt3A_1281 : i32
      %convert_element_type3A_1283 = arith.extui %lt3A_1282 : i1 to i32
      %cond3A_1284 = arith.constant 0 : i32
      %cond3A_1285 = arith.cmpi ne, %convert_element_type3A_1283, %cond3A_1284 : i32
      scf.if %cond3A_1285 {
        %add3A_1366 = arith.constant 2 : i32
        %add3A_1367 = arith.addi %mul3A_750, %add3A_1366 : i32
        %add3A_1368 = arith.constant 4 : i32
        %add3A_1369 = arith.addi %add3A_1367, %add3A_1368 : i32
        %jit3A_1370 = arith.constant 2 : i32
        %div3A_1371 = arith.divsi %add3A_1369, %jit3A_1370 : i32
        %sign3A_1372 = arith.constant 0 : i32
        %sign3A_1373 = arith.cmpi sgt, %add3A_1369, %sign3A_1372 : i32
        %sign3A_1374 = arith.extui %sign3A_1373 : i1 to i32
        %sign3A_1375 = arith.constant 0 : i32
        %sign3A_1376 = arith.cmpi slt, %add3A_1369, %sign3A_1375 : i32
        %sign3A_1377 = arith.extui %sign3A_1376 : i1 to i32
        %sign3A_1378 = arith.subi %sign3A_1374, %sign3A_1377 : i32
        %sign3A_1379 = arith.constant 0 : i32
        %sign3A_1380 = arith.cmpi sgt, %jit3A_1370, %sign3A_1379 : i32
        %sign3A_1381 = arith.extui %sign3A_1380 : i1 to i32
        %sign3A_1382 = arith.constant 0 : i32
        %sign3A_1383 = arith.cmpi slt, %jit3A_1370, %sign3A_1382 : i32
        %sign3A_1384 = arith.extui %sign3A_1383 : i1 to i32
        %sign3A_1385 = arith.subi %sign3A_1381, %sign3A_1384 : i32
        %ne3A_1386 = arith.cmpi ne, %sign3A_1378, %sign3A_1385 : i32
        %rem3A_1387 = arith.remsi %add3A_1369, %jit3A_1370 : i32
        %ne3A_1388 = arith.constant 0 : i32
        %ne3A_1389 = arith.cmpi ne, %rem3A_1387, %ne3A_1388 : i32
        %and3A_1390 = arith.andi %ne3A_1386, %ne3A_1389 : i1
        %sub3A_1391 = arith.constant 1 : i32
        %sub3A_1392 = arith.subi %div3A_1371, %sub3A_1391 : i32
        %select_n3A_1393 = arith.select %and3A_1390, %sub3A_1392, %div3A_1371 : i32
        %dma_start3A_1394 = arith.constant 1 : i32
        %dma_start3A_1395 = arith.constant 0 : i32
        %dma_start3A_1396 = arith.constant 0 : i32
        %dma_start3A_1397 = tpu.memref_slice %arg10[%dma_start3A_1394, %dma_start3A_1395, %dma_start3A_1396] : memref<2x200x128xf32, #tpu.memory_space<vmem>> -> memref<1x128x128xf32, #tpu.memory_space<vmem>>
        %dma_start3A_1398 = tpu.memref_squeeze %dma_start3A_1397 : memref<1x128x128xf32, #tpu.memory_space<vmem>> -> memref<128x128xf32, #tpu.memory_space<vmem>>
        %dma_start3A_1399 = arith.constant 0 : i32
        %dma_start3A_1400 = tpu.memref_slice %arg8[%select_n3A_1393, %dma_start3A_1399] : memref<32x200xi32, #tpu.memory_space<vmem>> -> memref<1x128xi32, #tpu.memory_space<vmem>>
        %dma_start3A_1401 = tpu.memref_squeeze %dma_start3A_1400 : memref<1x128xi32, #tpu.memory_space<vmem>> -> memref<128xi32, #tpu.memory_space<vmem>>
        %dma_start3A_1402 = arith.constant 0 : i32
        %dma_start3A_1403 = arith.constant 0 : i32
        %dma_start3A_1404 = tpu.memref_slice %arg4[%dma_start3A_1402, %dma_start3A_1403] : memref<100000x128xf32, #tpu.memory_space<hbm>> -> memref<100000x128xf32, #tpu.memory_space<hbm>>
        tpu.enqueue_indirect_dma source(%dma_start3A_1404 : memref<100000x128xf32, #tpu.memory_space<hbm>>) target(%dma_start3A_1398 : memref<128x128xf32, #tpu.memory_space<vmem>>) offsets(%dma_start3A_1401 : memref<128xi32, #tpu.memory_space<vmem>>) semaphore(%arg16 : memref<!tpu.dma_semaphore, #tpu.memory_space<semaphore_mem>>)
      } else {
      }
      %add3A_1286 = arith.constant 3 : i32
      %add3A_1287 = arith.addi %mul3A_750, %add3A_1286 : i32
      %jit3A_1288 = arith.constant 2 : i32
      %div3A_1289 = arith.divsi %add3A_1287, %jit3A_1288 : i32
      %sign3A_1290 = arith.constant 0 : i32
      %sign3A_1291 = arith.cmpi sgt, %add3A_1287, %sign3A_1290 : i32
      %sign3A_1292 = arith.extui %sign3A_1291 : i1 to i32
      %sign3A_1293 = arith.constant 0 : i32
      %sign3A_1294 = arith.cmpi slt, %add3A_1287, %sign3A_1293 : i32
      %sign3A_1295 = arith.extui %sign3A_1294 : i1 to i32
      %sign3A_1296 = arith.subi %sign3A_1292, %sign3A_1295 : i32
      %sign3A_1297 = arith.constant 0 : i32
      %sign3A_1298 = arith.cmpi sgt, %jit3A_1288, %sign3A_1297 : i32
      %sign3A_1299 = arith.extui %sign3A_1298 : i1 to i32
      %sign3A_1300 = arith.constant 0 : i32
      %sign3A_1301 = arith.cmpi slt, %jit3A_1288, %sign3A_1300 : i32
      %sign3A_1302 = arith.extui %sign3A_1301 : i1 to i32
      %sign3A_1303 = arith.subi %sign3A_1299, %sign3A_1302 : i32
      %ne3A_1304 = arith.cmpi ne, %sign3A_1296, %sign3A_1303 : i32
      %rem3A_1305 = arith.remsi %add3A_1287, %jit3A_1288 : i32
      %ne3A_1306 = arith.constant 0 : i32
      %ne3A_1307 = arith.cmpi ne, %rem3A_1305, %ne3A_1306 : i32
      %and3A_1308 = arith.andi %ne3A_1304, %ne3A_1307 : i1
      %sub3A_1309 = arith.constant 1 : i32
      %sub3A_1310 = arith.subi %div3A_1289, %sub3A_1309 : i32
      %select_n3A_1311 = arith.select %and3A_1308, %sub3A_1310, %div3A_1289 : i32
      %add3A_1312 = arith.addi %mul3A_2, %select_n3A_1311 : i32
      %dma_wait3A_1313 = arith.constant 1 : i32
      %dma_wait3A_1314 = arith.constant 128 : i32
      %dma_wait3A_1315 = arith.constant 0 : i32
      %dma_wait3A_1316 = tpu.memref_slice %arg10[%dma_wait3A_1313, %dma_wait3A_1314, %dma_wait3A_1315] : memref<2x200x128xf32, #tpu.memory_space<vmem>> -> memref<1x72x128xf32, #tpu.memory_space<vmem>>
      %dma_wait3A_1317 = tpu.memref_squeeze %dma_wait3A_1316 : memref<1x72x128xf32, #tpu.memory_space<vmem>> -> memref<72x128xf32, #tpu.memory_space<vmem>>
      %dma_wait3A_1318 = arith.constant 128 : i32
      %dma_wait3A_1319 = arith.constant 0 : i32
      %dma_wait3A_1320 = tpu.memref_slice %arg6[%add3A_1312, %dma_wait3A_1318, %dma_wait3A_1319] : memref<1024x200x128xf32, #tpu.memory_space<hbm>> -> memref<1x72x128xf32, #tpu.memory_space<hbm>>
      %dma_wait3A_1321 = tpu.memref_squeeze %dma_wait3A_1320 : memref<1x72x128xf32, #tpu.memory_space<hbm>> -> memref<72x128xf32, #tpu.memory_space<hbm>>
      %dma_wait3A_1322 = arith.constant 128 : i32
      %dma_wait3A_1323 = arith.constant 0 : i32
      %dma_wait3A_1324 = tpu.memref_slice %arg6[%add3A_1312, %dma_wait3A_1322, %dma_wait3A_1323] : memref<1024x200x128xf32, #tpu.memory_space<hbm>> -> memref<1x72x128xf32, #tpu.memory_space<hbm>>
      %dma_wait3A_1325 = tpu.memref_squeeze %dma_wait3A_1324 : memref<1x72x128xf32, #tpu.memory_space<hbm>> -> memref<72x128xf32, #tpu.memory_space<hbm>>
      %dma_wait3A_1326 = arith.constant 128 : i32
      %dma_wait3A_1327 = arith.constant 0 : i32
      %dma_wait3A_1328 = tpu.memref_slice %arg10[%dma_wait3A_1313, %dma_wait3A_1326, %dma_wait3A_1327] : memref<2x200x128xf32, #tpu.memory_space<vmem>> -> memref<1x72x128xf32, #tpu.memory_space<vmem>>
      %dma_wait3A_1329 = tpu.memref_squeeze %dma_wait3A_1328 : memref<1x72x128xf32, #tpu.memory_space<vmem>> -> memref<72x128xf32, #tpu.memory_space<vmem>>
      tpu.wait_dma2 semaphore(%arg21 : memref<!tpu.dma_semaphore, #tpu.memory_space<semaphore_mem>>) src(%dma_wait3A_1329 : memref<72x128xf32, #tpu.memory_space<vmem>>) dst(%dma_wait3A_1325 : memref<72x128xf32, #tpu.memory_space<hbm>>)
      %add3A_1330 = arith.constant 3 : i32
      %add3A_1331 = arith.addi %mul3A_750, %add3A_1330 : i32
      %add3A_1332 = arith.constant 4 : i32
      %add3A_1333 = arith.addi %add3A_1331, %add3A_1332 : i32
      %lt3A_1334 = arith.constant 64 : i32
      %lt3A_1335 = arith.cmpi slt, %add3A_1333, %lt3A_1334 : i32
      %convert_element_type3A_1336 = arith.extui %lt3A_1335 : i1 to i32
      %cond3A_1337 = arith.constant 0 : i32
      %cond3A_1338 = arith.cmpi ne, %convert_element_type3A_1336, %cond3A_1337 : i32
      scf.if %cond3A_1338 {
        %add3A_1366 = arith.constant 3 : i32
        %add3A_1367 = arith.addi %mul3A_750, %add3A_1366 : i32
        %add3A_1368 = arith.constant 4 : i32
        %add3A_1369 = arith.addi %add3A_1367, %add3A_1368 : i32
        %jit3A_1370 = arith.constant 2 : i32
        %div3A_1371 = arith.divsi %add3A_1369, %jit3A_1370 : i32
        %sign3A_1372 = arith.constant 0 : i32
        %sign3A_1373 = arith.cmpi sgt, %add3A_1369, %sign3A_1372 : i32
        %sign3A_1374 = arith.extui %sign3A_1373 : i1 to i32
        %sign3A_1375 = arith.constant 0 : i32
        %sign3A_1376 = arith.cmpi slt, %add3A_1369, %sign3A_1375 : i32
        %sign3A_1377 = arith.extui %sign3A_1376 : i1 to i32
        %sign3A_1378 = arith.subi %sign3A_1374, %sign3A_1377 : i32
        %sign3A_1379 = arith.constant 0 : i32
        %sign3A_1380 = arith.cmpi sgt, %jit3A_1370, %sign3A_1379 : i32
        %sign3A_1381 = arith.extui %sign3A_1380 : i1 to i32
        %sign3A_1382 = arith.constant 0 : i32
        %sign3A_1383 = arith.cmpi slt, %jit3A_1370, %sign3A_1382 : i32
        %sign3A_1384 = arith.extui %sign3A_1383 : i1 to i32
        %sign3A_1385 = arith.subi %sign3A_1381, %sign3A_1384 : i32
        %ne3A_1386 = arith.cmpi ne, %sign3A_1378, %sign3A_1385 : i32
        %rem3A_1387 = arith.remsi %add3A_1369, %jit3A_1370 : i32
        %ne3A_1388 = arith.constant 0 : i32
        %ne3A_1389 = arith.cmpi ne, %rem3A_1387, %ne3A_1388 : i32
        %and3A_1390 = arith.andi %ne3A_1386, %ne3A_1389 : i1
        %sub3A_1391 = arith.constant 1 : i32
        %sub3A_1392 = arith.subi %div3A_1371, %sub3A_1391 : i32
        %select_n3A_1393 = arith.select %and3A_1390, %sub3A_1392, %div3A_1371 : i32
        %dma_start3A_1394 = arith.constant 1 : i32
        %dma_start3A_1395 = arith.constant 128 : i32
        %dma_start3A_1396 = arith.constant 0 : i32
        %dma_start3A_1397 = tpu.memref_slice %arg10[%dma_start3A_1394, %dma_start3A_1395, %dma_start3A_1396] : memref<2x200x128xf32, #tpu.memory_space<vmem>> -> memref<1x72x128xf32, #tpu.memory_space<vmem>>
        %dma_start3A_1398 = tpu.memref_squeeze %dma_start3A_1397 : memref<1x72x128xf32, #tpu.memory_space<vmem>> -> memref<72x128xf32, #tpu.memory_space<vmem>>
        %dma_start3A_1399 = arith.constant 128 : i32
        %dma_start3A_1400 = tpu.memref_slice %arg8[%select_n3A_1393, %dma_start3A_1399] : memref<32x200xi32, #tpu.memory_space<vmem>> -> memref<1x72xi32, #tpu.memory_space<vmem>>
        %dma_start3A_1401 = tpu.memref_squeeze %dma_start3A_1400 : memref<1x72xi32, #tpu.memory_space<vmem>> -> memref<72xi32, #tpu.memory_space<vmem>>
        %dma_start3A_1402 = arith.constant 0 : i32
        %dma_start3A_1403 = arith.constant 0 : i32
        %dma_start3A_1404 = tpu.memref_slice %arg4[%dma_start3A_1402, %dma_start3A_1403] : memref<100000x128xf32, #tpu.memory_space<hbm>> -> memref<100000x128xf32, #tpu.memory_space<hbm>>
        tpu.enqueue_indirect_dma source(%dma_start3A_1404 : memref<100000x128xf32, #tpu.memory_space<hbm>>) target(%dma_start3A_1398 : memref<72x128xf32, #tpu.memory_space<vmem>>) offsets(%dma_start3A_1401 : memref<72xi32, #tpu.memory_space<vmem>>) semaphore(%arg17 : memref<!tpu.dma_semaphore, #tpu.memory_space<semaphore_mem>>)
      } else {
      }
      %mul3A_1339 = arith.constant 2 : i32
      %mul3A_1340 = arith.muli %add3A_744, %mul3A_1339 : i32
      %add3A_1341 = arith.addi %mul3A_2, %mul3A_1340 : i32
      %dma_wait3A_1342 = arith.constant 1 : i32
      %dma_wait3A_1343 = arith.constant 0 : i32
      %dma_wait3A_1344 = arith.constant 0 : i32
      %dma_wait3A_1345 = arith.constant 0 : i32
      %dma_wait3A_1346 = tpu.memref_slice %arg11[%dma_wait3A_1342, %dma_wait3A_1343, %dma_wait3A_1344, %dma_wait3A_1345] : memref<2x2x50x128xf32, #tpu.memory_space<vmem>> -> memref<1x2x50x128xf32, #tpu.memory_space<vmem>>
      %dma_wait3A_1347 = tpu.memref_squeeze %dma_wait3A_1346 : memref<1x2x50x128xf32, #tpu.memory_space<vmem>> -> memref<2x50x128xf32, #tpu.memory_space<vmem>>
      %dma_wait3A_1348 = arith.constant 0 : i32
      %dma_wait3A_1349 = arith.constant 0 : i32
      %dma_wait3A_1350 = tpu.memref_slice %arg7[%add3A_1341, %dma_wait3A_1348, %dma_wait3A_1349] : memref<1024x50x128xf32, #tpu.memory_space<hbm>> -> memref<2x50x128xf32, #tpu.memory_space<hbm>>
      %dma_wait3A_1351 = arith.constant 0 : i32
      %dma_wait3A_1352 = arith.constant 0 : i32
      %dma_wait3A_1353 = tpu.memref_slice %arg7[%add3A_1341, %dma_wait3A_1351, %dma_wait3A_1352] : memref<1024x50x128xf32, #tpu.memory_space<hbm>> -> memref<2x50x128xf32, #tpu.memory_space<hbm>>
      %dma_wait3A_1354 = arith.constant 0 : i32
      %dma_wait3A_1355 = arith.constant 0 : i32
      %dma_wait3A_1356 = arith.constant 0 : i32
      %dma_wait3A_1357 = tpu.memref_slice %arg11[%dma_wait3A_1342, %dma_wait3A_1354, %dma_wait3A_1355, %dma_wait3A_1356] : memref<2x2x50x128xf32, #tpu.memory_space<vmem>> -> memref<1x2x50x128xf32, #tpu.memory_space<vmem>>
      %dma_wait3A_1358 = tpu.memref_squeeze %dma_wait3A_1357 : memref<1x2x50x128xf32, #tpu.memory_space<vmem>> -> memref<2x50x128xf32, #tpu.memory_space<vmem>>
      tpu.wait_dma2 semaphore(%arg25 : memref<!tpu.dma_semaphore, #tpu.memory_space<semaphore_mem>>) src(%dma_wait3A_1358 : memref<2x50x128xf32, #tpu.memory_space<vmem>>) dst(%dma_wait3A_1353 : memref<2x50x128xf32, #tpu.memory_space<hbm>>)
      %add3A_1359 = arith.constant 2 : i32
      %add3A_1360 = arith.addi %add3A_744, %add3A_1359 : i32
      %lt3A_1361 = arith.constant 16 : i32
      %lt3A_1362 = arith.cmpi slt, %add3A_1360, %lt3A_1361 : i32
      %convert_element_type3A_1363 = arith.extui %lt3A_1362 : i1 to i32
      %cond3A_1364 = arith.constant 0 : i32
      %cond3A_1365 = arith.cmpi ne, %convert_element_type3A_1363, %cond3A_1364 : i32
      scf.if %cond3A_1365 {
        %add3A_1366 = arith.constant 2 : i32
        %add3A_1367 = arith.addi %add3A_744, %add3A_1366 : i32
        %mul3A_1368 = arith.constant 2 : i32
        %mul3A_1369 = arith.muli %add3A_1367, %mul3A_1368 : i32
        %add3A_1370 = arith.constant 0 : i32
        %add3A_1371 = arith.addi %mul3A_1369, %add3A_1370 : i32
        %mul3A_1372 = arith.constant 2 : i32
        %mul3A_1373 = arith.muli %add3A_1367, %mul3A_1372 : i32
        %add3A_1374 = arith.constant 1 : i32
        %add3A_1375 = arith.addi %mul3A_1373, %add3A_1374 : i32
        %dma_start3A_1376 = arith.constant 1 : i32
        %dma_start3A_1377 = arith.constant 0 : i32
        %dma_start3A_1378 = arith.constant 0 : i32
        %dma_start3A_1379 = arith.constant 0 : i32
        %dma_start3A_1380 = tpu.memref_slice %arg11[%dma_start3A_1376, %dma_start3A_1377, %dma_start3A_1378, %dma_start3A_1379] : memref<2x2x50x128xf32, #tpu.memory_space<vmem>> -> memref<1x1x50x128xf32, #tpu.memory_space<vmem>>
        %dma_start3A_1381 = tpu.memref_squeeze %dma_start3A_1380 : memref<1x1x50x128xf32, #tpu.memory_space<vmem>> -> memref<50x128xf32, #tpu.memory_space<vmem>>
        %dma_start3A_1382 = arith.constant 0 : i32
        %dma_start3A_1383 = tpu.memref_slice %arg9[%add3A_1371, %dma_start3A_1382] : memref<32x50xi32, #tpu.memory_space<vmem>> -> memref<1x50xi32, #tpu.memory_space<vmem>>
        %dma_start3A_1384 = tpu.memref_squeeze %dma_start3A_1383 : memref<1x50xi32, #tpu.memory_space<vmem>> -> memref<50xi32, #tpu.memory_space<vmem>>
        %dma_start3A_1385 = arith.constant 0 : i32
        %dma_start3A_1386 = arith.constant 0 : i32
        %dma_start3A_1387 = tpu.memref_slice %arg5[%dma_start3A_1385, %dma_start3A_1386] : memref<100000x128xf32, #tpu.memory_space<hbm>> -> memref<100000x128xf32, #tpu.memory_space<hbm>>
        tpu.enqueue_indirect_dma source(%dma_start3A_1387 : memref<100000x128xf32, #tpu.memory_space<hbm>>) target(%dma_start3A_1381 : memref<50x128xf32, #tpu.memory_space<vmem>>) offsets(%dma_start3A_1384 : memref<50xi32, #tpu.memory_space<vmem>>) semaphore(%arg23 : memref<!tpu.dma_semaphore, #tpu.memory_space<semaphore_mem>>)
        %dma_start3A_1388 = arith.constant 1 : i32
        %dma_start3A_1389 = arith.constant 1 : i32
        %dma_start3A_1390 = arith.constant 0 : i32
        %dma_start3A_1391 = arith.constant 0 : i32
        %dma_start3A_1392 = tpu.memref_slice %arg11[%dma_start3A_1388, %dma_start3A_1389, %dma_start3A_1390, %dma_start3A_1391] : memref<2x2x50x128xf32, #tpu.memory_space<vmem>> -> memref<1x1x50x128xf32, #tpu.memory_space<vmem>>
        %dma_start3A_1393 = tpu.memref_squeeze %dma_start3A_1392 : memref<1x1x50x128xf32, #tpu.memory_space<vmem>> -> memref<50x128xf32, #tpu.memory_space<vmem>>
        %dma_start3A_1394 = arith.constant 0 : i32
        %dma_start3A_1395 = tpu.memref_slice %arg9[%add3A_1375, %dma_start3A_1394] : memref<32x50xi32, #tpu.memory_space<vmem>> -> memref<1x50xi32, #tpu.memory_space<vmem>>
        %dma_start3A_1396 = tpu.memref_squeeze %dma_start3A_1395 : memref<1x50xi32, #tpu.memory_space<vmem>> -> memref<50xi32, #tpu.memory_space<vmem>>
        %dma_start3A_1397 = arith.constant 0 : i32
        %dma_start3A_1398 = arith.constant 0 : i32
        %dma_start3A_1399 = tpu.memref_slice %arg5[%dma_start3A_1397, %dma_start3A_1398] : memref<100000x128xf32, #tpu.memory_space<hbm>> -> memref<100000x128xf32, #tpu.memory_space<hbm>>
        tpu.enqueue_indirect_dma source(%dma_start3A_1399 : memref<100000x128xf32, #tpu.memory_space<hbm>>) target(%dma_start3A_1393 : memref<50x128xf32, #tpu.memory_space<vmem>>) offsets(%dma_start3A_1396 : memref<50xi32, #tpu.memory_space<vmem>>) semaphore(%arg23 : memref<!tpu.dma_semaphore, #tpu.memory_space<semaphore_mem>>)
      } else {
      }
    }
    %scan3A_125 = arith.constant 8 : i32
    return
  }
}

</mosaic_0001>

<sc_bundles>
// kernel: kernel.3.cloned.1.call-start
scs
__scs_entry_jumppad:
0x0: {  	(pc) =	sbr.rel $0x88, $3  }
0x1: {  	(tag) =	ssettag $0x0;
	lr =	simm.s32 $0x1  }
0x2: {  	[smem:$0x3F9D] =	sst lr;
	_ =	strace $0xD0000000  }
0x3: {  	_ = 	snop  }
0x4: {  	_ = 	snop  }
0x5: {  	_ = 	snop  }
0x6: {  	_ = 	snop  }
0x7: {  	_ = 	snop  }
__scs_overlays_trampoline_lowered:
0x8: {  	[smem:$0x3FAC] =	sst s0  }
0x9: {  	[smem:$0x3FAD] =	sst s1  }
0xa: {  	[smem:$0x3FAE] =	sst s2  }
0xb: {  	[smem:$0x3FAF] =	sst s3  }
0xc: {  	[smem:$0x3FB0] =	sst s4  }
0xd: {  	[smem:$0x3FB1] =	sst s5  }
0xe: {  	[smem:$0x3FB2] =	sst s6  }
0xf: {  	[smem:$0x3FB3] =	sst s7  }
0x10: {  	[smem:$0x3FB4] =	sst s8  }
0x11: {  	[smem:$0x3FB5] =	sst s9;
	s0 =	simm.s32 @!p0 $0x0  }
0x12: {  	s1 =	sld [smem:$0x3F9B];
	s0 =	simm.s32 @p0 $0x1  }
0x13: {  	[smem:$0x3FB6] =	sst s0;
	s0 =	simm.s32 @!p1 $0x0  }
0x14: {  	s2 =	sld [smem:$0x3F9A];
	s0 =	simm.s32 @p1 $0x1  }
0x15: {  	[smem:$0x3FB7] =	sst s0;
	s0 =	simm.s32 @!p2 $0x0  }
0x16: {  	s3 =	sld [smem:$0x3FDB];
	s0 =	simm.s32 @p2 $0x1  }
0x17: {  	s4 =	simm.s32 $0x1BF5;
	[smem:$0x3FB9] =	sst s0  }
0x18: {  	s0 =	sld [smem:$0x3F9C];
	_ =	swait.ge [sflag:s4], $0x0  }
0x19: {  	s7 =	sld [smem:$0x3F9D]  }
0x1a: {  	s8 =	sadd.s32 $0xFFFFE003, lr  }
0x1b: {  	s9 =	sadd.s32 $0xFFFFFEF7, lr;
	s5 =	simm.s32 $0xFFFFFFFF;
	p2 =	slt.u32 s8, $0xFFFFF086  }
0x1c: {  	p1 =	slt.u32 s9, $0xF7A;
	s5 =	simm.s32 @!p2 $0x0  }
0x1d: {  	s5 =	simm.s32 @p1 $0x1;
	p0 =	seq.s32 s7, s2  }
0x1e: {  	s7 =	smul.u32 @!p0 $0xF7A, s2;
	p2 =	seq.s32 @!p0 s5, $0x0  }
0x1f: {  	s9 =	smul.u32 $0xF7A, s1;
	s8 =	simm.s32 @!p0 $0x1BF5;
	p2 =	por !p2, p0  }
0x20: {  	[sflag:s8] =	ssyncset.s32 @!p0 $0xFFFFF086;
	s6 =	sadd.s32 @!p0 s3, s7;
	s7 =	simm.s32 @!p0 $0x108  }
0x21: {  	s3 =	sadd.s32 s3, s9;
	s6 =	sadd.s32 @!p0 $0x88, s6;
	s7 =	simm.s32 @p2 $0x1082  }
0x22: {  	[simem:s7], [sflag:s8] =	dma.local @!p0 [hbm:s6], $0xF7A  }
0x23: {  	s9 =	sor.u32 $0xD0000000, s2;
	s6 =	simm.s32 $0x108;
	_ =	swait.ge @!p0 [sflag:s8], $0x0  }
0x24: {  	s3 =	sadd.s32 $0x88, s3;
	s6 =	simm.s32 @!p1 $0x1082;
	[sflag:s4] =	ssyncset.s32 $0xFFFFF086  }
0x25: {  	[simem:s6], [sflag:s4] =	dma.local [hbm:s3], $0xF7A  }
0x26: {  	[smem:$0x3F9D] =	sst s1;
	(tag) =	ssettag s2;
	_ =	strace s9  }
0x27: {  	s1 =	sld [smem:$0x3FAD]  }
0x28: {  	s2 =	sld [smem:$0x3FAE]  }
0x29: {  	s4 =	sld [smem:$0x3FB0]  }
0x2a: {  	p0 =	seq.s32 s5, $0x0;
	s5 =	sld [smem:$0x3FB1]  }
0x2b: {  	s6 =	sld [smem:$0x3FB2]  }
0x2c: {  	s7 =	sld [smem:$0x3FB3]  }
0x2d: {  	s3 =	simm.s32 $0x108;
	s8 =	sld [smem:$0x3FB4]  }
0x2e: {  	s3 =	simm.s32 @!p0 $0x1082;
	s9 =	sld [smem:$0x3FB5]  }
0x2f: {  	lr =	sadd.s32 s0, s3;
	s0 =	sld [smem:$0x3FAC]  }
0x30: {  	s3 =	sld [smem:$0x3FAF]  }
0x31: {  	[smem:$0x3FB8] =	sst s10  }
0x32: {  	s10 =	sld [smem:$0x3FB6];
	_ =	sdelay $0x3  }
0x33: {  	p0 =	seq.s32 s10, $0x1;
	s10 =	sld [smem:$0x3FB8];
	_ =	sdelay $0x3  }
0x34: {  	[smem:$0x3FB8] =	sst s10  }
0x35: {  	s10 =	sld [smem:$0x3FB7];
	_ =	sdelay $0x3  }
0x36: {  	p1 =	seq.s32 s10, $0x1;
	s10 =	sld [smem:$0x3FB8];
	_ =	sdelay $0x3  }
0x37: {  	[smem:$0x3FB8] =	sst s10  }
0x38: {  	s10 =	sld [smem:$0x3FB9]  }
0x39: {  	_ = 	snop;
	(pc) =	sbr.ind lr, $3  }
0x3a: {  	_ = 	snop  }
0x3b: {  	_ = 	snop  }
0x3c: {  	p2 =	seq.s32 s10, $0x1;
	s10 =	sld [smem:$0x3FB8]  }
0x3d: {  	_ =	shalt  }
0x3e: {  	_ =	shalt  }
0x3f: {  	_ =	shalt  }
0x40: {  	_ =	shalt  }
0x41: {  	_ =	shalt  }
0x42: {  	_ =	shalt  }
0x43: {  	_ =	shalt  }
0x44: {  	_ =	shalt  }
0x45: {  	_ =	shalt  }
0x46: {  	_ =	shalt  }
0x47: {  	_ =	shalt  }
0x48: {  	_ =	shalt  }
0x49: {  	_ =	shalt  }
0x4a: {  	_ =	shalt  }
0x4b: {  	_ =	shalt  }
0x4c: {  	_ =	shalt  }
0x4d: {  	_ =	shalt  }
0x4e: {  	_ =	shalt  }
0x4f: {  	_ =	shalt  }
0x50: {  	_ =	shalt  }
0x51: {  	_ =	shalt  }
0x52: {  	_ =	shalt  }
0x53: {  	_ =	shalt  }
0x54: {  	_ =	shalt  }
0x55: {  	_ =	shalt  }
0x56: {  	_ =	shalt  }
0x57: {  	_ =	shalt  }
0x58: {  	_ =	shalt  }
0x59: {  	_ =	shalt  }
0x5a: {  	_ =	shalt  }
0x5b: {  	_ =	shalt  }
0x5c: {  	_ =	shalt  }
0x5d: {  	_ =	shalt  }
0x5e: {  	_ =	shalt  }
0x5f: {  	_ =	shalt  }
0x60: {  	_ =	shalt  }
0x61: {  	_ =	shalt  }
0x62: {  	_ =	shalt  }
0x63: {  	_ =	shalt  }
0x64: {  	_ =	shalt  }
0x65: {  	_ =	shalt  }
0x66: {  	_ =	shalt  }
0x67: {  	_ =	shalt  }
0x68: {  	_ =	shalt  }
0x69: {  	_ =	shalt  }
0x6a: {  	_ =	shalt  }
0x6b: {  	_ =	shalt  }
0x6c: {  	_ =	shalt  }
0x6d: {  	_ =	shalt  }
0x6e: {  	_ =	shalt  }
0x6f: {  	_ =	shalt  }
0x70: {  	_ =	shalt  }
0x71: {  	_ =	shalt  }
0x72: {  	_ =	shalt  }
0x73: {  	_ =	shalt  }
0x74: {  	_ =	shalt  }
0x75: {  	_ =	shalt  }
0x76: {  	_ =	shalt  }
0x77: {  	_ =	shalt  }
0x78: {  	_ =	shalt  }
0x79: {  	_ =	shalt  }
0x7a: {  	_ =	shalt  }
0x7b: {  	_ =	shalt  }
0x7c: {  	_ =	shalt  }
0x7d: {  	_ =	shalt  }
0x7e: {  	_ =	shalt  }
0x7f: {  	_ =	shalt  }
0x80: {  	_ =	shalt  }
0x81: {  	_ =	shalt  }
0x82: {  	_ =	shalt  }
0x83: {  	_ =	shalt  }
0x84: {  	_ =	shalt  }
0x85: {  	_ =	shalt  }
0x86: {  	_ =	shalt  }
0x87: {  	_ =	shalt  }
.Lfunc_end0:
.L_simem_size_0:
called_computation_lowered:
.L_overlay_start_0:
0x88: {  	s2 =	sld [smem:$0x3FD9]  }
0x89: {  	s3 =	sld [smem:$0x3FFE];
	_ =	sdelay $0x1  }
0x8a: {  	s1 =	srdreg.scid  }
0x8b: {  	s0 =	sand.u32 $0x1, s1  }
0x8c: {  	s14 =	sshll.u32 s0, $0xA;
	s2 =	sadd.s32 s3, s2  }
0x8d: {  	s2 =	sadd.s32 s2, s14  }
0x8e: {  	[smem:$0x3FC4] =	sst s2  }
0x8f: {  	_ = 	snop  }
0x90: {  	s2 =	sld [smem:$0x3FD0];
	_ =	sdelay $0x1  }
0x91: {  	s15 =	sld [smem:$0x3FC7]  }
0x92: {  	s5 =	simm.s32 $0xA;
	s6 =	simm.s32 $0x10;
	s4 =	sld [smem:$0x3FC6]  }
0x93: {  	[smem:s6], [sflag:s5] =	dma.local [hbm:s2], $0x1  }
0x94: {  	_ =	swait.eq [sflag:s5], $0x1  }
0x95: {  	[sflag:s5] =	ssyncset.done $0x0  }
0x96: {  	s16 =	sld [smem:$0x10];
	[sflag:s5] =	ssyncadd.s32 $0xFFFFFFFF  }
0x97: {  	s17 =	sld [smem:$0x11];
	(tm) =	ssettm $0x1  }
0x98: {  	s18 =	sld [smem:$0x3FFB];
	_ =	sdelay $0x3  }
0x99: {  	_ =	strace s18  }
0x9a: {  	s6 =	sld [smem:$0x3FFC];
	_ =	sdelay $0x3  }
0x9b: {  	_ =	strace s6  }
0x9c: {  	s6 =	sld [smem:$0x3FFD];
	_ =	sdelay $0x3  }
0x9d: {  	_ =	strace s6  }
0x9e: {  	_ =	strace $0x8FFFFFFF  }
0x9f: {  	s19 =	sld [smem:$0x3FDB];
	_ =	sdelay $0x1  }
0xa0: {  	s7 =	simm.s32 $_scs_section_size  }
0xa1: {  	s8 =	simm.s32 $_size__tile_overlayer_lowered;
	s9 =	simm.s32 $_tile_overlayer_lowered  }
0xa2: {  	s22 =	simm.s32 $0x1BFF;
	s21 =	sshll.u32 s9, $0x1;
	s6 =	sadd.s32 s7, s19  }
0xa3: {  	s10 =	simm.s32 $0x0;
	s20 =	sshll.u32 s8, $0x1;
	s8 =	sadd.s32 s21, s6  }
0xa4: {  	[timem:s10], [sflag:s22] =	dma.local [hbm:s8], s20  }
0xa5: {  	_ =	swait.ge [sflag:s22], s20  }
0xa6: {  	s7 =	ssub.s32 $0x0, s20;
	[sflag:s22] =	ssyncset.done $0x0  }
0xa7: {  	[sflag:s22] =	ssyncadd.s32 s7;
	_ =	sdelay $0x1  }
0xa8: {  	s23 =	simm.s32 $0x1B8B  }
0xa9: {  	_ =	swait.ge [sflag:s23], $0x1  }
0xaa: {  	[sflag:s23] =	ssyncset.done $0x0  }
0xab: {  	s25 =	simm.s32 $0x1B8E;
	s24 =	sld [smem:$0x3FFE];
	[sflag:s23] =	ssyncadd.s32 $0xFFFFFFFF  }
0xac: {  	s26 =	simm.s32 $execute0_lowered;
	[smem:$0x3FD2] =	sst s25  }
0xad: {  	s8 =	sshll.u32 s26, $0x1;
	_ =	strace $0x80000046;
	[dreg:$0x1] =	wrdreg $0xFFFFFFFF  }
0xae: {  	s28 =	simm.s32 $_size_execute0_lowered;
	s6 =	sadd.s32 s6, s8;
	[dreg:$0x0] =	wrdreg $0x0  }
0xaf: {  	s8 =	sshll.u32 s28, $0x1;
	[dreg:$0x2] =	wrdreg s6  }
0xb0: {  	[dreg:$0x3] =	wrdreg s8  }
0xb1: {  	[dreg:$0x4] =	wrdreg $0xC0  }
0xb2: {  	_ =	task [dreg:s10], $0x5FFFF  }
0xb3: {  	[dreg:$0x1] =	wrdreg $0xFFFFFFFF  }
0xb4: {  	[dreg:$0x0] =	wrdreg $0x60  }
0xb5: {  	[dreg:$0x2] =	wrdreg s17  }
0xb6: {  	[dreg:$0x3] =	wrdreg s24  }
0xb7: {  	[dreg:$0x4] =	wrdreg s15  }
0xb8: {  	[dreg:$0x5] =	wrdreg s4  }
0xb9: {  	[dreg:$0x6] =	wrdreg s16  }
0xba: {  	[dreg:$0x7] =	wrdreg $0x9  }
0xbb: {  	_ =	task.clear_ibuf [dreg:s10], $0x8FFFF;
	_ =	strace $0x90000046  }
0xbc: {  	s29 =	simm.s32 $0x9;
	_ =	strace $0x80000048  }
0xbd: {  	_ =	swait.ge [sflag:s29], $0x1  }
0xbe: {  	[sflag:s29] =	ssyncadd.s32 $0xFFFFFFFF  }
0xbf: {  	_ =	strace $0x90000048  }
0xc0: {  	_ =	sfence  }
0xc1: {  	s30 =	sld [smem:$0x0];
	_ =	sdelay $0x2  }
0xc2: {  	s31 =	sshll.u32 s1, $0xD;
	s1 =	sshrl.u32 s1, $0x2  }
0xc3: {  	s3 =	sand.u32 $0x4000, s31;
	s1 =	sadd.s32 s1, s30  }
0xc4: {  	s0 =	sor.u32 s3, s0;
	s1 =	sshll.u32 s1, $0x11  }
0xc5: {  	s0 =	sor.u32 s1, s0  }
0xc6: {  	s0 =	sadd.s32 $0x8F2B, s0  }
0xc7: {  	[sflag:s0] =	ssyncadd.remote.s32 $0x1  }
0xc8: {  	_ =	sfence.sel $0xFFFF  }
0xc9: {  	[dreg:$0x0] =	wrdreg $0xFFFFFFFF;
	(pc) =	sbr.abs _section_cstart, $3  }
0xca: {  	[dreg:$0x1] =	wrdreg $0xFFFFFFFF  }
0xcb: {  	_ =	task.clear_ibuf [dreg:s10], $0x2FFFF;
	_ =	strace $0x9FFFFFFF  }
0xcc: {  	(tm) =	ssettm $0x7FFFFFFF  }
0xcd: {  	_ =	shalt  }
tec
execute0_lowered:
.L_overlay_start_1:
0x0: {  	(tag) =	ssettag $0x1  }
0x1: {  	s0 =	rddreg [dreg:$0x0]  }
0x2: {  	s2 =	rddreg [dreg:$0x1]  }
0x3: {  	s1 =	rddreg [dreg:$0x2];
	s4 =	srdreg.scid  }
0x4: {  	s3 =	rddreg [dreg:$0x3];
	s11 =	stileid.u32  }
0x5: {  	s6 =	rddreg [dreg:$0x4];
	s9 =	smul.u32 $0xE000, s11  }
0x6: {  	s29 =	simm.s32 $0xB;
	s31 =	simm.s32 $0x7;
	s10 =	smul.u32 $0x32000, s11  }
0x7: {  	s5 =	sand.u32 $0x1, s4;
	s7 =	sshll.u32 s11, $0x6;
	s11 =	smul.u32 $0x190000, s11  }
0x8: {  	s4 =	simm.s32 $0x0;
	s8 =	sshll.u32 s5, $0x5;
	s13 =	smul.u32 $0xC8000, s5  }
0x9: {  	[smem:$0x7FF] =	sst s4;
	s14 =	ssub.s32 $0x2, s5;
	s15 =	smul.u32 $0x19000, s5  }
0xa: {  	s5 =	smul.u32 $0x7000, s5;
	s7 =	sor.u32 s8, s7;
	_ =	strace $0x80000047  }
0xb: {  	s12 =	sshrl.u32 s14, $0x1;
	s19 =	sadd.s32 s10, s6;
	s10 =	simm.s32 $0xD  }
0xc: {  	s8 =	sshll.u32 s7, $0x4;
	s7 =	sshll.u32 s7, $0x5;
	s17 =	sadd.s32 s13, s11  }
0xd: {  	s13 =	simm.s32 $0x14C00;
	s8 =	sadd.s32 s8, s2;
	s2 =	sadd.s32 s9, s2  }
0xe: {  	s9 =	ssub.s32 s14, s12;
	s0 =	sadd.s32 s0, s7;
	s20 =	sadd.s32 $0x16C00, s17  }
0xf: {  	s23 =	sadd.s32 $0x10800, s17;
	s24 =	sadd.s32 $0xA400, s17;
	s25 =	sor.u32 $0x4000, s17  }
0x10: {  	s12 =	simm.s32 $0x13000;
	s7 =	simm.s32 $0xA;
	s14 =	simm.s32 $0xC  }
0x11: {  	[dreg:$0x6] =	wrdreg s0;
	s16 =	sadd.s32 $0x800, s8;
	s18 =	smax.u32 s9, $0x1  }
0x12: {  	s0 =	sadd.s32 s15, s19;
	s21 =	sshrl.u32 s20, $0x3;
	s2 =	sadd.s32 s5, s2  }
0x13: {  	s26 =	sshrl.u32 s24, $0x3;
	s28 =	sshrl.u32 s25, $0x3;
	s19 =	simm.s32 $0x7000  }
0x14: {  	s20 =	simm.s32 $0x9400;
	s5 =	simm.s32 $0x8;
	[dreg:$0x7] =	wrdreg s16  }
0x15: {  	s8 =	simm.s32 $0x0;
	s24 =	simm.s32 $0x14C00;
	[dreg:$0x8] =	wrdreg s18  }
0x16: {  	[dreg:$0x9] =	wrdreg s0;
	s0 =	sadd.s32 s21, s6;
	s22 =	sadd.s32 $0x4F00, s2  }
0x17: {  	s30 =	sadd.s32 s28, s6;
	s16 =	simm.s32 $0x3000;
	[dreg:$0xa] =	wrdreg s0  }
.Ltmp0:
0x18: {  	s18 =	simm.s32 $0x4;
	[dreg:$0xb] =	wrdreg s22;
	(pc) =	sbr.rel .LBB2_1-.Ltmp0, $4  }
0x19: {  	s21 =	simm.s32 $0x5;
	s0 =	sshrl.u32 s23, $0x3;
	[dreg:$0xe] =	wrdreg s30  }
0x1a: {  	s22 =	simm.s32 $0xD400;
	s23 =	simm.s32 $0xE;
	s0 =	sadd.s32 s0, s6  }
0x1b: {  	[dreg:$0xc] =	wrdreg s0;
	s0 =	sadd.s32 s26, s6;
	s26 =	simm.s32 $0x6  }
0x1c: {  	s6 =	simm.s32 $0x9;
	[dreg:$0xd] =	wrdreg s0;
	s0 =	simm.s32 $0x3  }
.LBB2_4:
0x1d: {  	s8 =	rddreg [dreg:$0xf]  }
0x1e: {  	s2 =	rddreg [dreg:$0x8];
	s8 =	sadd.s32 $0x1, s8  }
0x1f: {  	p0 =	sne.s32 s8, s2  }
.Ltmp1:
0x20: {  	_ = 	snop;
	(pc) =	sbr.rel @!p0 .LBB2_5-.Ltmp1, $2  }
0x21: {  	_ =	sdelay $0x2  }
0x22: {  	s12 =	simm.s32 $0x13000;
	s13 =	simm.s32 $0x14C00  }
.LBB2_1:
0x23: {  	[dreg:$0xf] =	wrdreg s8  }
0x24: {  	s2 =	rddreg [dreg:$0x6]  }
0x25: {  	[tilespmem:s4], [sflag:$0x1] =	stream.linear.gather [hbm4b:s2+s4], $0x2000, $0x38;
	[tilespmem:$0x16800] =	vst v63  }
0x26: {  	s25 =	rddreg [dreg:$0x7];
	s8 =	simm.s32 $0x2000  }
0x27: {  	[tilespmem:s8], [sflag:$0x2] =	stream.linear.gather [hbm4b:s25+s4], $0x1000, $0x38;
	[tilespmem:$0x16800] =	vst v63  }
0x28: {  	s25 =	simm.s32 $0x1  }
0x29: {  	_ =	swait.ge [sflag:s25], $0x2000  }
0x2a: {  	[sflag:s25] =	ssyncset.done $0x0  }
0x2b: {  	s30 =	simm.s32 $0x80;
	[sflag:s25] =	ssyncadd.s32 $0xFFFFE000  }
0x2c: {  	[tilespmem:s16], [sflag:$0x3] =	stream.indirect.gather [hbm4b:s1+s30], $0x80, s4, s30, $0xb8;
	[tilespmem:$0x16800] =	vst v63  }
0x2d: {  	s9 =	simm.s32 $0x48;
	s11 =	simm.s32 $0x400  }
0x2e: {  	[tilespmem:s19], [sflag:$0x4] =	stream.indirect.gather [hbm4b:s1+s9], $0x80, s11, s9, $0xb8;
	[tilespmem:$0x16800] =	vst v63  }
0x2f: {  	_ = 	snop  }
0x30: {  	[tilespmem:s20], [sflag:$0x5] =	stream.indirect.gather [hbm4b:s1+s30], $0x80, s30, s30, $0xb8;
	[tilespmem:$0x16800] =	vst v63  }
0x31: {  	s15 =	simm.s32 $0x480;
	s17 =	simm.s32 $0x2  }
0x32: {  	[tilespmem:s22], [sflag:$0x6] =	stream.indirect.gather [hbm4b:s1+s9], $0x80, s15, s9, $0xb8;
	[tilespmem:$0x16800] =	vst v63  }
0x33: {  	_ =	swait.ge [sflag:s17], $0x1000  }
0x34: {  	[sflag:s17] =	ssyncset.done $0x0  }
0x35: {  	s30 =	simm.s32 $0xF800;
	s9 =	simm.s32 $0x32;
	[sflag:s17] =	ssyncadd.s32 $0xFFFFF000  }
0x36: {  	[tilespmem:s30], [sflag:$0xB] =	stream.indirect.gather [hbm4b:s3+s9], $0x80, s8, s9, $0xb8;
	[tilespmem:$0x16800] =	vst v63  }
0x37: {  	s11 =	simm.s32 $0x2080;
	s15 =	simm.s32 $0x11400  }
0x38: {  	[tilespmem:s15], [sflag:$0xB] =	stream.indirect.gather [hbm4b:s3+s9], $0x80, s11, s9, $0xb8;
	[tilespmem:$0x16800] =	vst v63  }
0x39: {  	s17 =	simm.s32 $0x2100  }
0x3a: {  	[tilespmem:s12], [sflag:$0xC] =	stream.indirect.gather [hbm4b:s3+s9], $0x80, s17, s9, $0xb8;
	[tilespmem:$0x16800] =	vst v63  }
0x3b: {  	s28 =	simm.s32 $0x2380;
	s30 =	simm.s32 $0x2180;
	s8 =	simm.s32 $0x0  }
0x3c: {  	[tilespmem:s13], [sflag:$0xC] =	stream.indirect.gather [hbm4b:s3+s9], $0x80, s30, s9, $0xb8;
	[tilespmem:$0x16800] =	vst v63  }
0x3d: {  	s11 =	simm.s32 $0x0;
	s12 =	simm.s32 $0x0;
	s9 =	rddreg [dreg:$0xb]  }
.LBB2_2:
0x3e: {  	_ =	swait.ge [sflag:s0], $0x4000  }
0x3f: {  	[sflag:s0] =	ssyncset.done $0x0;
	s2 =	rddreg [dreg:$0x9]  }
0x40: {  	[sflag:s0] =	ssyncadd.s32 $0xFFFFC000;
	s13 =	sadd.s32 s11, s2  }
0x41: {  	[hbm4b:s13+s4] =	stream.linear.scatter [tilespmem:s16], [sflag:$0x7], $0x4000, $0x38;
	[tilespmem:$0x16800] =	vst v63  }
0x42: {  	_ =	swait.ge [sflag:s18], $0x2400  }
0x43: {  	[sflag:s18] =	ssyncset.done $0x0;
	s15 =	rddreg [dreg:$0xe]  }
0x44: {  	[sflag:s18] =	ssyncadd.s32 $0xFFFFDC00;
	s15 =	sadd.s32 s11, s15  }
0x45: {  	[hbm4b:s15+s4] =	stream.linear.scatter [tilespmem:s19], [sflag:$0x8], $0x2400, $0x38;
	[tilespmem:$0x16800] =	vst v63  }
0x46: {  	_ =	swait.ge [sflag:s21], $0x4000  }
0x47: {  	[sflag:s21] =	ssyncset.done $0x0  }
0x48: {  	s17 =	sadd.s32 $0xC80, s13;
	[sflag:s21] =	ssyncadd.s32 $0xFFFFC000  }
0x49: {  	[hbm4b:s17+s4] =	stream.linear.scatter [tilespmem:s20], [sflag:$0x9], $0x4000, $0x38;
	[tilespmem:$0x16800] =	vst v63  }
0x4a: {  	_ =	swait.ge [sflag:s26], $0x2400  }
0x4b: {  	[sflag:s26] =	ssyncset.done $0x0;
	s30 =	rddreg [dreg:$0xd]  }
0x4c: {  	[sflag:s26] =	ssyncadd.s32 $0xFFFFDC00;
	s2 =	sadd.s32 s11, s30  }
0x4d: {  	[hbm4b:s2+s4] =	stream.linear.scatter [tilespmem:s22], [sflag:$0xA], $0x2400, $0x38;
	[tilespmem:$0x16800] =	vst v63  }
0x4e: {  	_ =	swait.ge [sflag:s29], $0x1900  }
0x4f: {  	[sflag:s29] =	ssyncset.done $0x0  }
0x50: {  	[sflag:s29] =	ssyncadd.s32 $0xFFFFE700  }
0x51: {  	_ =	swait.ge [sflag:s29], $0x1900  }
0x52: {  	[sflag:s29] =	ssyncset.done $0x0  }
0x53: {  	s17 =	sadd.s32 $0xFFFFF900, s9;
	s30 =	simm.s32 $0xF800;
	[sflag:s29] =	ssyncadd.s32 $0xFFFFE700  }
0x54: {  	[hbm4b:s17+s4] =	stream.linear.scatter [tilespmem:s30], [sflag:$0xD], $0x1900, $0x38;
	[tilespmem:$0x16800] =	vst v63  }
0x55: {  	s17 =	sadd.s32 $0xFFFFFC80, s9;
	s30 =	simm.s32 $0x11400  }
0x56: {  	[hbm4b:s17+s4] =	stream.linear.scatter [tilespmem:s30], [sflag:$0xD], $0x1900, $0x38;
	[tilespmem:$0x16800] =	vst v63  }
0x57: {  	s2 =	sand.u32 $0x1800, s12;
	s17 =	sand.u32 $0x200, s8;
	_ =	swait.ge [sflag:s31], $0x4000  }
0x58: {  	s15 =	sor.u32 s17, s2;
	[sflag:s31] =	ssyncset.done $0x0  }
0x59: {  	s2 =	simm.s32 $0x80;
	s17 =	sor.u32 $0x100, s15;
	[sflag:s31] =	ssyncadd.s32 $0xFFFFC000  }
0x5a: {  	[tilespmem:s16], [sflag:$0x3] =	stream.indirect.gather [hbm4b:s1+s2], $0x80, s17, s2, $0xb8;
	[tilespmem:$0x16800] =	vst v63  }
0x5b: {  	_ =	swait.ge [sflag:s5], $0x2400  }
0x5c: {  	[sflag:s5] =	ssyncset.done $0x0  }
0x5d: {  	s30 =	simm.s32 $0x48;
	s17 =	sor.u32 $0x500, s15;
	[sflag:s5] =	ssyncadd.s32 $0xFFFFDC00  }
0x5e: {  	[tilespmem:s19], [sflag:$0x4] =	stream.indirect.gather [hbm4b:s1+s30], $0x80, s17, s30, $0xb8;
	[tilespmem:$0x16800] =	vst v63  }
0x5f: {  	_ =	swait.ge [sflag:s6], $0x4000  }
0x60: {  	[sflag:s6] =	ssyncset.done $0x0  }
0x61: {  	s17 =	sor.u32 $0x180, s15;
	[sflag:s6] =	ssyncadd.s32 $0xFFFFC000  }
0x62: {  	[tilespmem:s20], [sflag:$0x5] =	stream.indirect.gather [hbm4b:s1+s2], $0x80, s17, s2, $0xb8;
	[tilespmem:$0x16800] =	vst v63  }
0x63: {  	_ =	swait.ge [sflag:s7], $0x2400  }
0x64: {  	[sflag:s7] =	ssyncset.done $0x0  }
0x65: {  	s15 =	sor.u32 $0x580, s15;
	[sflag:s7] =	ssyncadd.s32 $0xFFFFDC00  }
0x66: {  	[tilespmem:s22], [sflag:$0x6] =	stream.indirect.gather [hbm4b:s1+s30], $0x80, s15, s30, $0xb8;
	[tilespmem:$0x16800] =	vst v63  }
0x67: {  	p0 =	seq.s32 s11, $0x15E00;
	_ =	swait.ge [sflag:s10], $0x3200  }
0x68: {  	s17 =	simm.s32 @!p0 $0x32;
	[sflag:s10] =	ssyncset.done $0x0  }
0x69: {  	s15 =	sadd.s32 @!p0 $0xFFFFFE80, s28;
	s30 =	simm.s32 @!p0 $0xF800;
	[sflag:s10] =	ssyncadd.s32 $0xFFFFCE00  }
0x6a: {  	[tilespmem:s30], [sflag:$0xB] =	stream.indirect.gather @!p0 [hbm4b:s3+s17], $0x80, s15, s17, $0xb8;
	[tilespmem:$0x16800] =	vst v63  }
0x6b: {  	s15 =	sadd.s32 @!p0 $0xFFFFFF00, s28;
	s30 =	simm.s32 @!p0 $0x11400  }
0x6c: {  	[tilespmem:s30], [sflag:$0xB] =	stream.indirect.gather @!p0 [hbm4b:s3+s17], $0x80, s15, s17, $0xb8;
	[tilespmem:$0x16800] =	vst v63  }
0x6d: {  	_ =	swait.ge [sflag:s0], $0x4000  }
0x6e: {  	[sflag:s0] =	ssyncset.done $0x0  }
0x6f: {  	s17 =	sadd.s32 $0x1900, s13;
	[sflag:s0] =	ssyncadd.s32 $0xFFFFC000  }
0x70: {  	[hbm4b:s17+s4] =	stream.linear.scatter [tilespmem:s16], [sflag:$0x7], $0x4000, $0x38;
	[tilespmem:$0x16800] =	vst v63  }
0x71: {  	_ =	swait.ge [sflag:s18], $0x2400  }
0x72: {  	[sflag:s18] =	ssyncset.done $0x0;
	s30 =	rddreg [dreg:$0xc]  }
0x73: {  	[sflag:s18] =	ssyncadd.s32 $0xFFFFDC00;
	s2 =	sadd.s32 s11, s30  }
0x74: {  	[hbm4b:s2+s4] =	stream.linear.scatter [tilespmem:s19], [sflag:$0x8], $0x2400, $0x38;
	[tilespmem:$0x16800] =	vst v63  }
0x75: {  	_ =	swait.ge [sflag:s21], $0x4000  }
0x76: {  	[sflag:s21] =	ssyncset.done $0x0  }
0x77: {  	s13 =	sadd.s32 $0x2580, s13;
	[sflag:s21] =	ssyncadd.s32 $0xFFFFC000  }
0x78: {  	[hbm4b:s13+s4] =	stream.linear.scatter [tilespmem:s20], [sflag:$0x9], $0x4000, $0x38;
	[tilespmem:$0x16800] =	vst v63  }
0x79: {  	_ =	swait.ge [sflag:s26], $0x2400  }
0x7a: {  	[sflag:s26] =	ssyncset.done $0x0;
	s13 =	rddreg [dreg:$0xa]  }
0x7b: {  	[sflag:s26] =	ssyncadd.s32 $0xFFFFDC00;
	s15 =	sadd.s32 s11, s13  }
0x7c: {  	[hbm4b:s15+s4] =	stream.linear.scatter [tilespmem:s22], [sflag:$0xA], $0x2400, $0x38;
	[tilespmem:$0x16800] =	vst v63  }
0x7d: {  	_ =	swait.ge [sflag:s14], $0x1900  }
0x7e: {  	[sflag:s14] =	ssyncset.done $0x0  }
0x7f: {  	[sflag:s14] =	ssyncadd.s32 $0xFFFFE700  }
0x80: {  	_ =	swait.ge [sflag:s14], $0x1900  }
0x81: {  	[sflag:s14] =	ssyncset.done $0x0  }
0x82: {  	p1 =	slt.u32 s25, $0xF;
	s17 =	simm.s32 $0x13000;
	[sflag:s14] =	ssyncadd.s32 $0xFFFFE700  }
0x83: {  	[hbm4b:s9+s4] =	stream.linear.scatter [tilespmem:s17], [sflag:$0xE], $0x1900, $0x38;
	[tilespmem:$0x16800] =	vst v63  }
0x84: {  	s30 =	sadd.s32 $0x380, s9;
	s13 =	sadd.s32 @p1 $0x400, s12;
	s15 =	sxor.u32 @p1 $0xFFFFFFFF, s8  }
0x85: {  	[hbm4b:s30+s4] =	stream.linear.scatter [tilespmem:s24], [sflag:$0xE], $0x1900, $0x38;
	[tilespmem:$0x16800] =	vst v63  }
0x86: {  	s13 =	sand.u32 @p1 $0x3800, s13;
	s15 =	sand.u32 @p1 $0x200, s15;
	_ =	swait.ge [sflag:s31], $0x4000  }
0x87: {  	s13 =	sor.u32 @p1 s15, s13;
	[sflag:s31] =	ssyncset.done $0x0  }
0x88: {  	s15 =	simm.s32 @p1 $0x80;
	s17 =	simm.s32 @p1 $0x3000;
	[sflag:s31] =	ssyncadd.s32 $0xFFFFC000  }
0x89: {  	[tilespmem:s17], [sflag:$0x3] =	stream.indirect.gather @p1 [hbm4b:s1+s15], $0x80, s13, s15, $0xb8;
	[tilespmem:$0x16800] =	vst v63  }
0x8a: {  	s17 =	simm.s32 @p1 $0x8  }
0x8b: {  	_ =	swait.ge @p1 [sflag:s17], $0x2400  }
0x8c: {  	s30 =	simm.s32 @p1 $0x7000;
	[sflag:s17] =	ssyncset.done @p1 $0x0  }
0x8d: {  	s13 =	sor.u32 @p1 $0x400, s13;
	[sflag:s17] =	ssyncadd.s32 @p1 $0xFFFFDC00;
	s17 =	simm.s32 @p1 $0x48  }
0x8e: {  	[tilespmem:s30], [sflag:$0x4] =	stream.indirect.gather @p1 [hbm4b:s1+s17], $0x80, s13, s17, $0xb8;
	[tilespmem:$0x16800] =	vst v63  }
0x8f: {  	s13 =	simm.s32 @p1 $0x9  }
0x90: {  	s2 =	sadd.s32 @p1 $0x280, s8;
	s30 =	sadd.s32 @p1 $0x500, s12;
	_ =	swait.ge @p1 [sflag:s13], $0x4000  }
0x91: {  	s2 =	sand.u32 @p1 $0x280, s2;
	s30 =	sand.u32 @p1 $0x3800, s30;
	[sflag:s13] =	ssyncset.done @p1 $0x0  }
0x92: {  	s2 =	sor.u32 @p1 s2, s30;
	[sflag:s13] =	ssyncadd.s32 @p1 $0xFFFFC000;
	s13 =	simm.s32 @p1 $0x9400  }
0x93: {  	[tilespmem:s13], [sflag:$0x5] =	stream.indirect.gather @p1 [hbm4b:s1+s15], $0x80, s2, s15, $0xb8;
	[tilespmem:$0x16800] =	vst v63  }
0x94: {  	s13 =	simm.s32 @p1 $0xA  }
0x95: {  	_ =	swait.ge @p1 [sflag:s13], $0x2400  }
0x96: {  	[sflag:s13] =	ssyncset.done @p1 $0x0  }
0x97: {  	s2 =	sor.u32 @p1 $0x400, s2;
	[sflag:s13] =	ssyncadd.s32 @p1 $0xFFFFDC00;
	s13 =	simm.s32 @p1 $0xD400  }
0x98: {  	[tilespmem:s13], [sflag:$0x6] =	stream.indirect.gather @p1 [hbm4b:s1+s17], $0x80, s2, s17, $0xb8;
	[tilespmem:$0x16800] =	vst v63  }
0x99: {  	s2 =	simm.s32 @!p1 $0x8  }
0x9a: {  	_ =	swait.ge @!p1 [sflag:s2], $0x2400  }
0x9b: {  	[sflag:s2] =	ssyncset.done @!p1 $0x0  }
0x9c: {  	[sflag:s2] =	ssyncadd.s32 @!p1 $0xFFFFDC00;
	s2 =	simm.s32 @!p1 $0x9  }
0x9d: {  	_ =	swait.ge @!p1 [sflag:s2], $0x4000  }
0x9e: {  	[sflag:s2] =	ssyncset.done @!p1 $0x0  }
0x9f: {  	[sflag:s2] =	ssyncadd.s32 @!p1 $0xFFFFC000;
	s2 =	simm.s32 @!p1 $0xA  }
0xa0: {  	_ =	swait.ge @!p1 [sflag:s2], $0x2400  }
.Ltmp2:
0xa1: {  	[sflag:s2] =	ssyncset.done @!p1 $0x0;
	(pc) =	sbr.rel @p0 .LBB2_4-.Ltmp2, $4  }
0xa2: {  	[sflag:s2] =	ssyncadd.s32 @!p1 $0xFFFFDC00  }
0xa3: {  	_ =	swait.ge [sflag:s23], $0x3200  }
0xa4: {  	[sflag:s23] =	ssyncset.done $0x0  }
0xa5: {  	[sflag:s23] =	ssyncadd.s32 $0xFFFFCE00  }
0xa6: {  	s2 =	sadd.s32 $0xFFFFFF80, s28  }
.Ltmp3:
0xa7: {  	s13 =	simm.s32 $0x32;
	s15 =	simm.s32 $0x13000;
	(pc) =	sbr.rel .LBB2_2-.Ltmp3, $4  }
0xa8: {  	[tilespmem:s15], [sflag:$0xC] =	stream.indirect.gather [hbm4b:s3+s13], $0x80, s2, s13, $0xb8;
	[tilespmem:$0x16800] =	vst v63  }
0xa9: {  	s12 =	sadd.s32 $0x400, s12;
	s25 =	sadd.s32 $0x2, s25;
	s11 =	sadd.s32 $0x3200, s11  }
0xaa: {  	[tilespmem:s24], [sflag:$0xC] =	stream.indirect.gather [hbm4b:s3+s13], $0x80, s28, s13, $0xb8;
	[tilespmem:$0x16800] =	vst v63  }
0xab: {  	s9 =	sadd.s32 $0xE00, s9;
	s8 =	sadd.s32 $0x200, s8;
	s28 =	sadd.s32 $0x200, s28  }
.LBB2_5:
0xac: {  	_ =	sfence.sel $0x180000  }
0xad: {  	[bflag:$0x0] =	sbarrier.arrive $0xFFFF  }
0xae: {  	_ =	strace $0x90000047  }
0xaf: {  	s0 =	stileid.u32;
	[bflag:$0x2] =	sbarrier.arrive $0xFFFF  }
0xb0: {  	p0 =	sne.s32 s0, $0x0;
	s0 =	rddreg [dreg:$0x5]  }
0xb1: {  	s0 =	sadd.s32 @!p0 $0x100000, s0  }
0xb2: {  	[sflag:s0] =	ssyncadd.tile.s32 @!p0 $0x1;
	_ =	shalt  }
.Lfunc_end2:
_tile_overlayer_lowered:
.L_overlay_start_2:
0xb3: {  	(tag) =	ssettag $0x2  }
0xb4: {  	s0 =	rddreg [dreg:$0x0];
	s2 =	stileid.u32  }
0xb5: {  	s1 =	rddreg [dreg:$0x1];
	p0 =	sne.s32 s2, $0x0  }
0xb6: {  	s3 =	rddreg [dreg:$0x2];
	[bflag:$0x3] =	sbarrier.arrive $0xFFFF;
	s2 =	simm.s32 @!p0 $0x1C0F  }
0xb7: {  	[timem:s3], [sflag:s2] =	dma.local @!p0 [hbm:s0], s1  }
0xb8: {  	s0 =	simm.s32 @!p0 $0xF  }
0xb9: {  	_ =	swait.ge @!p0 [sflag:s0], s1  }
0xba: {  	s1 =	ssub.s32 @!p0 $0x0, s1;
	[sflag:s0] =	ssyncset.done @!p0 $0x0  }
0xbb: {  	[sflag:s0] =	ssyncadd.s32 @!p0 s1  }
0xbc: {  	[bflag:$0x3] =	sbarrier.arrive $0xFFFF  }
0xbd: {  	_ =	shalt  }

</sc_bundles>
